<compile_context>
chip_gen: v7x
topology: tpu7x:2x2x1
jax: 0.10.2.dev20260603
libtpu: 0.0.44.dev20260713+nightly
codegen_flags: <defaults>
</compile_context>

<pallas_src>
import functools

import jax
import jax.numpy as jnp
from jax import lax
from jax.experimental import pallas as pl
from jax.experimental.pallas import tpu as pltpu
from jax.experimental.pallas import tpu_sc as plsc

_NC = 2
_NS = 16
_NW = _NC * _NS
_L = 16
_NBUF = 3
_SPLIT = 2


def _masked_copy(s_slabs, n, chunk):
    half = chunk // _SPLIT
    zhalf = half // 2
    nsub = _SPLIT * s_slabs
    mesh = plsc.VectorSubcoreMesh(core_axis_name="c", subcore_axis_name="s")

    @functools.partial(
        pl.kernel,
        out_type=jax.ShapeDtypeStruct((s_slabs * n,), jnp.float32),
        mesh=mesh,
        scratch_types=[
            pltpu.VMEM((_L,), jnp.int32),
            pltpu.VMEM((zhalf,), jnp.float32),
            [pltpu.VMEM((half,), jnp.float32)] * _NBUF,
            [pltpu.SemaphoreType.DMA] * _NBUF,
            [pltpu.SemaphoreType.DMA] * _NBUF,
        ],
    )
    def body(x_hbm, m_hbm, out_hbm, m_v, zeros_v, bufs, gsem, ssem):
        wid = lax.axis_index("s") * _NC + lax.axis_index("c")
        base = wid * chunk

        pltpu.sync_copy(m_hbm, m_v)
        mvec = m_v[...]

        def src_at(i):
            s, h = i // _SPLIT, i % _SPLIT
            return x_hbm.at[pl.ds(s * n + base + h * half, half)]

        def dst_at(i):
            s, h = i // _SPLIT, i % _SPLIT
            return out_hbm.at[pl.ds(s * n + base + h * half, half)]

        for g in range(min(_NBUF - 1, nsub)):
            @pl.when(mvec[g // _SPLIT] != 0)
            def _pg():
                pltpu.async_copy(src_at(g), bufs[g % _NBUF], gsem[g % _NBUF])

        zvec = jnp.zeros((_L,), jnp.float32)

        def fill(i, _):
            for j in range(16):
                zeros_v[pl.ds((i * 16 + j) * _L, _L)] = zvec
            return 0

        lax.fori_loop(0, zhalf // (_L * 16), fill, 0)

        for idx in range(nsub):
            g = idx + _NBUF - 1
            if g < nsub:
                bg = g % _NBUF
                if g >= _NBUF:
                    pltpu.make_async_copy(bufs[bg], dst_at(g), ssem[bg]).wait()

                @pl.when(mvec[g // _SPLIT] != 0)
                def _gather():
                    pltpu.async_copy(src_at(g), bufs[bg], gsem[bg])

            b = idx % _NBUF
            m = mvec[idx // _SPLIT]

            @pl.when(m != 0)
            def _copy():
                pltpu.make_async_copy(src_at(idx), bufs[b], gsem[b]).wait()
                pltpu.async_copy(bufs[b], dst_at(idx), ssem[b])

            s_i, h_i = idx // _SPLIT, idx % _SPLIT
            off_i = s_i * n + base + h_i * half

            @pl.when(m == 0)
            def _zero():
                pltpu.async_copy(
                    zeros_v, out_hbm.at[pl.ds(off_i, zhalf)], ssem[b])
                pltpu.async_copy(
                    zeros_v, out_hbm.at[pl.ds(off_i + zhalf, zhalf)], ssem[b])

        for idx in range(nsub - _NBUF, nsub):
            pltpu.make_async_copy(
                bufs[idx % _NBUF], dst_at(idx), ssem[idx % _NBUF]).wait()

    return body


def kernel(x, mask):
    B, K, H, W, Z = x.shape
    s_slabs = B * K
    n = H * W * Z
    chunk = n // _NW
    xf = x.reshape(s_slabs * n)
    m16 = jnp.zeros((_L,), jnp.int32).at[:s_slabs].set(
        mask.reshape(s_slabs).astype(jnp.int32))
    out = _masked_copy(s_slabs, n, chunk)(xf, m16)
    return out.reshape(B, K, H, W, Z)

# --- scband reference (transcript-rebuilt; emitter-appended) ---
"""Pipeline reference for scband-mask-modal-91268055040144 (READ-ONLY COPY).

The authoritative reference and input builder live on the scoring server;
editing this copy changes nothing except your own understanding.
"""

import jax, jax.numpy as jnp
import numpy as np


def setup_inputs(seed: int = 0) -> dict:
    key = jax.random.key(seed)
    k1, k2 = jax.random.split(key)
    x = jax.random.normal(k1, (2, 4, 128, 128, 128), dtype=jnp.float32)
    mask = jax.random.randint(k2, (2, 4), 0, 2).astype(jnp.bool_)
    return {"x": x, "mask": mask}


def reference(x, mask):
    # Faithful translation of:
    #   y = torch.zeros_like(x); y[mask, ...] = x[mask, ...]
    #   x = y.view(B, -1, H, W, Z)
    # mask indexes the leading (B, K) dims; selected slabs are copied, rest stay zero.
    B, K, H, W, Z = x.shape
    y = jnp.where(mask[:, :, None, None, None], x, jnp.zeros_like(x))
    return y.reshape(B, -1, H, W, Z)

if __name__ == "__main__":
    import jax
    _d = setup_inputs()
    print(jax.jit(kernel)(*tuple(_d.values())))

</pallas_src>

<mosaic_0001>
#map = affine_map<(d0, d1) -> (0)>
module attributes {stable_mosaic.version = 14 : i64} {
  func.func @body(%arg0: i32, %arg1: i32, %arg2: memref<16777216xf32, #tpu.memory_space<hbm>>, %arg3: memref<16xi32, #tpu.memory_space<hbm>>, %arg4: memref<16777216xf32, #tpu.memory_space<hbm>>, %arg5: memref<16xi32, #tpu.memory_space<vmem>>, %arg6: memref<16384xf32, #tpu.memory_space<vmem>>, %arg7: memref<32768xf32, #tpu.memory_space<vmem>>, %arg8: memref<32768xf32, #tpu.memory_space<vmem>>, %arg9: memref<32768xf32, #tpu.memory_space<vmem>>, %arg10: memref<!tpu.dma_semaphore, #tpu.memory_space<semaphore_mem>>, %arg11: memref<!tpu.dma_semaphore, #tpu.memory_space<semaphore_mem>>, %arg12: memref<!tpu.dma_semaphore, #tpu.memory_space<semaphore_mem>>, %arg13: memref<!tpu.dma_semaphore, #tpu.memory_space<semaphore_mem>>, %arg14: memref<!tpu.dma_semaphore, #tpu.memory_space<semaphore_mem>>, %arg15: memref<!tpu.dma_semaphore, #tpu.memory_space<semaphore_mem>>) attributes {dimension_semantics = [#tpu.dimension_semantics<core_parallel>, #tpu.dimension_semantics<subcore_parallel>], iteration_bounds = array<i64: 2, 16>, scalar_prefetch = 0 : i64, scratch_operands = 11 : i64, tpu.core_type = #tpu.core_type<sc_vector_subcore>, window_params = [{transform_indices = #map}, {transform_indices = #map}, {transform_indices = #map}]} {
    %mul3A = arith.constant 2 : i32
    %mul3A_0 = arith.muli %arg1, %mul3A : i32
    %add3A = arith.addi %mul3A_0, %arg0 : i32
    %mul3A_1 = arith.constant 65536 : i32
    %mul3A_2 = arith.muli %add3A, %mul3A_1 : i32
    "tpu.region"() ({
      %run_scoped3A = tpu.sem_alloc : memref<!tpu.dma_semaphore, #tpu.memory_space<semaphore_mem>>
      tpu.enqueue_dma source(%arg3 : memref<16xi32, #tpu.memory_space<hbm>>) target(%arg5 : memref<16xi32, #tpu.memory_space<vmem>>) target_semaphore(%run_scoped3A : memref<!tpu.dma_semaphore, #tpu.memory_space<semaphore_mem>>)
      tpu.wait_dma2 semaphore(%run_scoped3A : memref<!tpu.dma_semaphore, #tpu.memory_space<semaphore_mem>>) src(%arg3 : memref<16xi32, #tpu.memory_space<hbm>>) dst(%arg5 : memref<16xi32, #tpu.memory_space<vmem>>)
      tpu.yield
    }) : () -> ()
    %get3A = arith.constant 0 : index
    %get3A_3 = tpu.vector_load %arg5[%get3A] {strides = array<i32>} : memref<16xi32, #tpu.memory_space<vmem>>, vector<16xi32>,
    %get3A_4 = vector.shape_cast %get3A_3 : vector<16xi32> to vector<16xi32>
    %slice3A = vector.extract_strided_slice %get3A_4 {offsets = [0], sizes = [1], strides = [1]} : vector<16xi32> to vector<1xi32>
    %squeeze3A = vector.extract %slice3A[0] : i32 from vector<1xi32>
    %ne3A = arith.constant 0 : i32
    %ne3A_5 = arith.cmpi ne, %squeeze3A, %ne3A : i32
    %convert_element_type3A = arith.extui %ne3A_5 : i1 to i32
    %cond3A = arith.constant 0 : i32
    %cond3A_6 = arith.cmpi ne, %convert_element_type3A, %cond3A : i32
    scf.if %cond3A_6 {
      %add3A_469 = arith.constant 0 : i32
      %add3A_470 = arith.addi %add3A_469, %mul3A_2 : i32
      %add3A_471 = arith.constant 0 : i32
      %add3A_472 = arith.addi %add3A_470, %add3A_471 : i32
      %dma_start3A = tpu.memref_slice %arg2[%add3A_472] : memref<16777216xf32, #tpu.memory_space<hbm>> -> memref<32768xf32, #tpu.memory_space<hbm>>
      %dma_start3A_473 = tpu.memref_slice %arg2[%add3A_472] : memref<16777216xf32, #tpu.memory_space<hbm>> -> memref<32768xf32, #tpu.memory_space<hbm>>
      tpu.enqueue_dma source(%dma_start3A_473 : memref<32768xf32, #tpu.memory_space<hbm>>) target(%arg7 : memref<32768xf32, #tpu.memory_space<vmem>>) target_semaphore(%arg10 : memref<!tpu.dma_semaphore, #tpu.memory_space<semaphore_mem>>)
    } else {
    }
    %slice3A_7 = vector.extract_strided_slice %get3A_4 {offsets = [0], sizes = [1], strides = [1]} : vector<16xi32> to vector<1xi32>
    %squeeze3A_8 = vector.extract %slice3A_7[0] : i32 from vector<1xi32>
    %ne3A_9 = arith.constant 0 : i32
    %ne3A_10 = arith.cmpi ne, %squeeze3A_8, %ne3A_9 : i32
    %convert_element_type3A_11 = arith.extui %ne3A_10 : i1 to i32
    %cond3A_12 = arith.constant 0 : i32
    %cond3A_13 = arith.cmpi ne, %convert_element_type3A_11, %cond3A_12 : i32
    scf.if %cond3A_13 {
      %add3A_469 = arith.constant 0 : i32
      %add3A_470 = arith.addi %add3A_469, %mul3A_2 : i32
      %add3A_471 = arith.constant 32768 : i32
      %add3A_472 = arith.addi %add3A_470, %add3A_471 : i32
      %dma_start3A = tpu.memref_slice %arg2[%add3A_472] : memref<16777216xf32, #tpu.memory_space<hbm>> -> memref<32768xf32, #tpu.memory_space<hbm>>
      %dma_start3A_473 = tpu.memref_slice %arg2[%add3A_472] : memref<16777216xf32, #tpu.memory_space<hbm>> -> memref<32768xf32, #tpu.memory_space<hbm>>
      tpu.enqueue_dma source(%dma_start3A_473 : memref<32768xf32, #tpu.memory_space<hbm>>) target(%arg8 : memref<32768xf32, #tpu.memory_space<vmem>>) target_semaphore(%arg11 : memref<!tpu.dma_semaphore, #tpu.memory_space<semaphore_mem>>)
    } else {
    }
    %broadcast_in_dim3A = arith.constant 0.000000e+00 : f32
    %broadcast_in_dim3A_14 = vector.broadcast %broadcast_in_dim3A : f32 to vector<16xf32>
    %scan3A = arith.constant 0 : i32
    %scan3A_15 = arith.constant 0 : i32
    %scan3A_16 = arith.constant 64 : i32
    %scan3A_17 = arith.addi %scan3A_15, %scan3A_16 : i32
    %scan3A_18 = arith.constant 1 : i32
    %scan3A_19 = scf.for %scan3A_469 = %scan3A_15 to %scan3A_17 step %scan3A_18 iter_args(%scan3A_470 = %scan3A) -> (i32)  : i32 {
      %mul3A_471 = arith.constant 16 : i32
      %mul3A_472 = arith.muli %scan3A_469, %mul3A_471 : i32
      %add3A_473 = arith.constant 0 : i32
      %add3A_474 = arith.addi %mul3A_472, %add3A_473 : i32
      %mul3A_475 = arith.constant 16 : i32
      %mul3A_476 = arith.muli %add3A_474, %mul3A_475 : i32
      %swap3A = arith.index_cast %mul3A_476 : i32 to index
      %swap3A_477 = tpu.vector_load %arg6[%swap3A] {strides = array<i32>} : memref<16384xf32, #tpu.memory_space<vmem>>, vector<16xf32>,
      %swap3A_478 = vector.shape_cast %swap3A_477 : vector<16xf32> to vector<16xf32>
      %swap3A_479 = vector.shape_cast %broadcast_in_dim3A_14 : vector<16xf32> to vector<16xf32>
      tpu.vector_store %arg6[%swap3A], %swap3A_479 {strides = array<i32>} : memref<16384xf32, #tpu.memory_space<vmem>>, vector<16xf32>,
      %mul3A_480 = arith.constant 16 : i32
      %mul3A_481 = arith.muli %scan3A_469, %mul3A_480 : i32
      %add3A_482 = arith.constant 1 : i32
      %add3A_483 = arith.addi %mul3A_481, %add3A_482 : i32
      %mul3A_484 = arith.constant 16 : i32
      %mul3A_485 = arith.muli %add3A_483, %mul3A_484 : i32
      %swap3A_486 = arith.index_cast %mul3A_485 : i32 to index
      %swap3A_487 = tpu.vector_load %arg6[%swap3A_486] {strides = array<i32>} : memref<16384xf32, #tpu.memory_space<vmem>>, vector<16xf32>,
      %swap3A_488 = vector.shape_cast %swap3A_487 : vector<16xf32> to vector<16xf32>
      %swap3A_489 = vector.shape_cast %broadcast_in_dim3A_14 : vector<16xf32> to vector<16xf32>
      tpu.vector_store %arg6[%swap3A_486], %swap3A_489 {strides = array<i32>} : memref<16384xf32, #tpu.memory_space<vmem>>, vector<16xf32>,
      %mul3A_490 = arith.constant 16 : i32
      %mul3A_491 = arith.muli %scan3A_469, %mul3A_490 : i32
      %add3A_492 = arith.constant 2 : i32
      %add3A_493 = arith.addi %mul3A_491, %add3A_492 : i32
      %mul3A_494 = arith.constant 16 : i32
      %mul3A_495 = arith.muli %add3A_493, %mul3A_494 : i32
      %swap3A_496 = arith.index_cast %mul3A_495 : i32 to index
      %swap3A_497 = tpu.vector_load %arg6[%swap3A_496] {strides = array<i32>} : memref<16384xf32, #tpu.memory_space<vmem>>, vector<16xf32>,
      %swap3A_498 = vector.shape_cast %swap3A_497 : vector<16xf32> to vector<16xf32>
      %swap3A_499 = vector.shape_cast %broadcast_in_dim3A_14 : vector<16xf32> to vector<16xf32>
      tpu.vector_store %arg6[%swap3A_496], %swap3A_499 {strides = array<i32>} : memref<16384xf32, #tpu.memory_space<vmem>>, vector<16xf32>,
      %mul3A_500 = arith.constant 16 : i32
      %mul3A_501 = arith.muli %scan3A_469, %mul3A_500 : i32
      %add3A_502 = arith.constant 3 : i32
      %add3A_503 = arith.addi %mul3A_501, %add3A_502 : i32
      %mul3A_504 = arith.constant 16 : i32
      %mul3A_505 = arith.muli %add3A_503, %mul3A_504 : i32
      %swap3A_506 = arith.index_cast %mul3A_505 : i32 to index
      %swap3A_507 = tpu.vector_load %arg6[%swap3A_506] {strides = array<i32>} : memref<16384xf32, #tpu.memory_space<vmem>>, vector<16xf32>,
      %swap3A_508 = vector.shape_cast %swap3A_507 : vector<16xf32> to vector<16xf32>
      %swap3A_509 = vector.shape_cast %broadcast_in_dim3A_14 : vector<16xf32> to vector<16xf32>
      tpu.vector_store %arg6[%swap3A_506], %swap3A_509 {strides = array<i32>} : memref<16384xf32, #tpu.memory_space<vmem>>, vector<16xf32>,
      %mul3A_510 = arith.constant 16 : i32
      %mul3A_511 = arith.muli %scan3A_469, %mul3A_510 : i32
      %add3A_512 = arith.constant 4 : i32
      %add3A_513 = arith.addi %mul3A_511, %add3A_512 : i32
      %mul3A_514 = arith.constant 16 : i32
      %mul3A_515 = arith.muli %add3A_513, %mul3A_514 : i32
      %swap3A_516 = arith.index_cast %mul3A_515 : i32 to index
      %swap3A_517 = tpu.vector_load %arg6[%swap3A_516] {strides = array<i32>} : memref<16384xf32, #tpu.memory_space<vmem>>, vector<16xf32>,
      %swap3A_518 = vector.shape_cast %swap3A_517 : vector<16xf32> to vector<16xf32>
      %swap3A_519 = vector.shape_cast %broadcast_in_dim3A_14 : vector<16xf32> to vector<16xf32>
      tpu.vector_store %arg6[%swap3A_516], %swap3A_519 {strides = array<i32>} : memref<16384xf32, #tpu.memory_space<vmem>>, vector<16xf32>,
      %mul3A_520 = arith.constant 16 : i32
      %mul3A_521 = arith.muli %scan3A_469, %mul3A_520 : i32
      %add3A_522 = arith.constant 5 : i32
      %add3A_523 = arith.addi %mul3A_521, %add3A_522 : i32
      %mul3A_524 = arith.constant 16 : i32
      %mul3A_525 = arith.muli %add3A_523, %mul3A_524 : i32
      %swap3A_526 = arith.index_cast %mul3A_525 : i32 to index
      %swap3A_527 = tpu.vector_load %arg6[%swap3A_526] {strides = array<i32>} : memref<16384xf32, #tpu.memory_space<vmem>>, vector<16xf32>,
      %swap3A_528 = vector.shape_cast %swap3A_527 : vector<16xf32> to vector<16xf32>
      %swap3A_529 = vector.shape_cast %broadcast_in_dim3A_14 : vector<16xf32> to vector<16xf32>
      tpu.vector_store %arg6[%swap3A_526], %swap3A_529 {strides = array<i32>} : memref<16384xf32, #tpu.memory_space<vmem>>, vector<16xf32>,
      %mul3A_530 = arith.constant 16 : i32
      %mul3A_531 = arith.muli %scan3A_469, %mul3A_530 : i32
      %add3A_532 = arith.constant 6 : i32
      %add3A_533 = arith.addi %mul3A_531, %add3A_532 : i32
      %mul3A_534 = arith.constant 16 : i32
      %mul3A_535 = arith.muli %add3A_533, %mul3A_534 : i32
      %swap3A_536 = arith.index_cast %mul3A_535 : i32 to index
      %swap3A_537 = tpu.vector_load %arg6[%swap3A_536] {strides = array<i32>} : memref<16384xf32, #tpu.memory_space<vmem>>, vector<16xf32>,
      %swap3A_538 = vector.shape_cast %swap3A_537 : vector<16xf32> to vector<16xf32>
      %swap3A_539 = vector.shape_cast %broadcast_in_dim3A_14 : vector<16xf32> to vector<16xf32>
      tpu.vector_store %arg6[%swap3A_536], %swap3A_539 {strides = array<i32>} : memref<16384xf32, #tpu.memory_space<vmem>>, vector<16xf32>,
      %mul3A_540 = arith.constant 16 : i32
      %mul3A_541 = arith.muli %scan3A_469, %mul3A_540 : i32
      %add3A_542 = arith.constant 7 : i32
      %add3A_543 = arith.addi %mul3A_541, %add3A_542 : i32
      %mul3A_544 = arith.constant 16 : i32
      %mul3A_545 = arith.muli %add3A_543, %mul3A_544 : i32
      %swap3A_546 = arith.index_cast %mul3A_545 : i32 to index
      %swap3A_547 = tpu.vector_load %arg6[%swap3A_546] {strides = array<i32>} : memref<16384xf32, #tpu.memory_space<vmem>>, vector<16xf32>,
      %swap3A_548 = vector.shape_cast %swap3A_547 : vector<16xf32> to vector<16xf32>
      %swap3A_549 = vector.shape_cast %broadcast_in_dim3A_14 : vector<16xf32> to vector<16xf32>
      tpu.vector_store %arg6[%swap3A_546], %swap3A_549 {strides = array<i32>} : memref<16384xf32, #tpu.memory_space<vmem>>, vector<16xf32>,
      %mul3A_550 = arith.constant 16 : i32
      %mul3A_551 = arith.muli %scan3A_469, %mul3A_550 : i32
      %add3A_552 = arith.constant 8 : i32
      %add3A_553 = arith.addi %mul3A_551, %add3A_552 : i32
      %mul3A_554 = arith.constant 16 : i32
      %mul3A_555 = arith.muli %add3A_553, %mul3A_554 : i32
      %swap3A_556 = arith.index_cast %mul3A_555 : i32 to index
      %swap3A_557 = tpu.vector_load %arg6[%swap3A_556] {strides = array<i32>} : memref<16384xf32, #tpu.memory_space<vmem>>, vector<16xf32>,
      %swap3A_558 = vector.shape_cast %swap3A_557 : vector<16xf32> to vector<16xf32>
      %swap3A_559 = vector.shape_cast %broadcast_in_dim3A_14 : vector<16xf32> to vector<16xf32>
      tpu.vector_store %arg6[%swap3A_556], %swap3A_559 {strides = array<i32>} : memref<16384xf32, #tpu.memory_space<vmem>>, vector<16xf32>,
      %mul3A_560 = arith.constant 16 : i32
      %mul3A_561 = arith.muli %scan3A_469, %mul3A_560 : i32
      %add3A_562 = arith.constant 9 : i32
      %add3A_563 = arith.addi %mul3A_561, %add3A_562 : i32
      %mul3A_564 = arith.constant 16 : i32
      %mul3A_565 = arith.muli %add3A_563, %mul3A_564 : i32
      %swap3A_566 = arith.index_cast %mul3A_565 : i32 to index
      %swap3A_567 = tpu.vector_load %arg6[%swap3A_566] {strides = array<i32>} : memref<16384xf32, #tpu.memory_space<vmem>>, vector<16xf32>,
      %swap3A_568 = vector.shape_cast %swap3A_567 : vector<16xf32> to vector<16xf32>
      %swap3A_569 = vector.shape_cast %broadcast_in_dim3A_14 : vector<16xf32> to vector<16xf32>
      tpu.vector_store %arg6[%swap3A_566], %swap3A_569 {strides = array<i32>} : memref<16384xf32, #tpu.memory_space<vmem>>, vector<16xf32>,
      %mul3A_570 = arith.constant 16 : i32
      %mul3A_571 = arith.muli %scan3A_469, %mul3A_570 : i32
      %add3A_572 = arith.constant 10 : i32
      %add3A_573 = arith.addi %mul3A_571, %add3A_572 : i32
      %mul3A_574 = arith.constant 16 : i32
      %mul3A_575 = arith.muli %add3A_573, %mul3A_574 : i32
      %swap3A_576 = arith.index_cast %mul3A_575 : i32 to index
      %swap3A_577 = tpu.vector_load %arg6[%swap3A_576] {strides = array<i32>} : memref<16384xf32, #tpu.memory_space<vmem>>, vector<16xf32>,
      %swap3A_578 = vector.shape_cast %swap3A_577 : vector<16xf32> to vector<16xf32>
      %swap3A_579 = vector.shape_cast %broadcast_in_dim3A_14 : vector<16xf32> to vector<16xf32>
      tpu.vector_store %arg6[%swap3A_576], %swap3A_579 {strides = array<i32>} : memref<16384xf32, #tpu.memory_space<vmem>>, vector<16xf32>,
      %mul3A_580 = arith.constant 16 : i32
      %mul3A_581 = arith.muli %scan3A_469, %mul3A_580 : i32
      %add3A_582 = arith.constant 11 : i32
      %add3A_583 = arith.addi %mul3A_581, %add3A_582 : i32
      %mul3A_584 = arith.constant 16 : i32
      %mul3A_585 = arith.muli %add3A_583, %mul3A_584 : i32
      %swap3A_586 = arith.index_cast %mul3A_585 : i32 to index
      %swap3A_587 = tpu.vector_load %arg6[%swap3A_586] {strides = array<i32>} : memref<16384xf32, #tpu.memory_space<vmem>>, vector<16xf32>,
      %swap3A_588 = vector.shape_cast %swap3A_587 : vector<16xf32> to vector<16xf32>
      %swap3A_589 = vector.shape_cast %broadcast_in_dim3A_14 : vector<16xf32> to vector<16xf32>
      tpu.vector_store %arg6[%swap3A_586], %swap3A_589 {strides = array<i32>} : memref<16384xf32, #tpu.memory_space<vmem>>, vector<16xf32>,
      %mul3A_590 = arith.constant 16 : i32
      %mul3A_591 = arith.muli %scan3A_469, %mul3A_590 : i32
      %add3A_592 = arith.constant 12 : i32
      %add3A_593 = arith.addi %mul3A_591, %add3A_592 : i32
      %mul3A_594 = arith.constant 16 : i32
      %mul3A_595 = arith.muli %add3A_593, %mul3A_594 : i32
      %swap3A_596 = arith.index_cast %mul3A_595 : i32 to index
      %swap3A_597 = tpu.vector_load %arg6[%swap3A_596] {strides = array<i32>} : memref<16384xf32, #tpu.memory_space<vmem>>, vector<16xf32>,
      %swap3A_598 = vector.shape_cast %swap3A_597 : vector<16xf32> to vector<16xf32>
      %swap3A_599 = vector.shape_cast %broadcast_in_dim3A_14 : vector<16xf32> to vector<16xf32>
      tpu.vector_store %arg6[%swap3A_596], %swap3A_599 {strides = array<i32>} : memref<16384xf32, #tpu.memory_space<vmem>>, vector<16xf32>,
      %mul3A_600 = arith.constant 16 : i32
      %mul3A_601 = arith.muli %scan3A_469, %mul3A_600 : i32
      %add3A_602 = arith.constant 13 : i32
      %add3A_603 = arith.addi %mul3A_601, %add3A_602 : i32
      %mul3A_604 = arith.constant 16 : i32
      %mul3A_605 = arith.muli %add3A_603, %mul3A_604 : i32
      %swap3A_606 = arith.index_cast %mul3A_605 : i32 to index
      %swap3A_607 = tpu.vector_load %arg6[%swap3A_606] {strides = array<i32>} : memref<16384xf32, #tpu.memory_space<vmem>>, vector<16xf32>,
      %swap3A_608 = vector.shape_cast %swap3A_607 : vector<16xf32> to vector<16xf32>
      %swap3A_609 = vector.shape_cast %broadcast_in_dim3A_14 : vector<16xf32> to vector<16xf32>
      tpu.vector_store %arg6[%swap3A_606], %swap3A_609 {strides = array<i32>} : memref<16384xf32, #tpu.memory_space<vmem>>, vector<16xf32>,
      %mul3A_610 = arith.constant 16 : i32
      %mul3A_611 = arith.muli %scan3A_469, %mul3A_610 : i32
      %add3A_612 = arith.constant 14 : i32
      %add3A_613 = arith.addi %mul3A_611, %add3A_612 : i32
      %mul3A_614 = arith.constant 16 : i32
      %mul3A_615 = arith.muli %add3A_613, %mul3A_614 : i32
      %swap3A_616 = arith.index_cast %mul3A_615 : i32 to index
      %swap3A_617 = tpu.vector_load %arg6[%swap3A_616] {strides = array<i32>} : memref<16384xf32, #tpu.memory_space<vmem>>, vector<16xf32>,
      %swap3A_618 = vector.shape_cast %swap3A_617 : vector<16xf32> to vector<16xf32>
      %swap3A_619 = vector.shape_cast %broadcast_in_dim3A_14 : vector<16xf32> to vector<16xf32>
      tpu.vector_store %arg6[%swap3A_616], %swap3A_619 {strides = array<i32>} : memref<16384xf32, #tpu.memory_space<vmem>>, vector<16xf32>,
      %mul3A_620 = arith.constant 16 : i32
      %mul3A_621 = arith.muli %scan3A_469, %mul3A_620 : i32
      %add3A_622 = arith.constant 15 : i32
      %add3A_623 = arith.addi %mul3A_621, %add3A_622 : i32
      %mul3A_624 = arith.constant 16 : i32
      %mul3A_625 = arith.muli %add3A_623, %mul3A_624 : i32
      %swap3A_626 = arith.index_cast %mul3A_625 : i32 to index
      %swap3A_627 = tpu.vector_load %arg6[%swap3A_626] {strides = array<i32>} : memref<16384xf32, #tpu.memory_space<vmem>>, vector<16xf32>,
      %swap3A_628 = vector.shape_cast %swap3A_627 : vector<16xf32> to vector<16xf32>
      %swap3A_629 = vector.shape_cast %broadcast_in_dim3A_14 : vector<16xf32> to vector<16xf32>
      tpu.vector_store %arg6[%swap3A_626], %swap3A_629 {strides = array<i32>} : memref<16384xf32, #tpu.memory_space<vmem>>, vector<16xf32>,
      %scan3A_630 = arith.constant 0 : i32
      scf.yield %scan3A_630 : i32
    }
    %scan3A_20 = arith.constant 64 : i32
    %slice3A_21 = vector.extract_strided_slice %get3A_4 {offsets = [1], sizes = [1], strides = [1]} : vector<16xi32> to vector<1xi32>
    %squeeze3A_22 = vector.extract %slice3A_21[0] : i32 from vector<1xi32>
    %ne3A_23 = arith.constant 0 : i32
    %ne3A_24 = arith.cmpi ne, %squeeze3A_22, %ne3A_23 : i32
    %convert_element_type3A_25 = arith.extui %ne3A_24 : i1 to i32
    %cond3A_26 = arith.constant 0 : i32
    %cond3A_27 = arith.cmpi ne, %convert_element_type3A_25, %cond3A_26 : i32
    scf.if %cond3A_27 {
      %add3A_469 = arith.constant 2097152 : i32
      %add3A_470 = arith.addi %add3A_469, %mul3A_2 : i32
      %add3A_471 = arith.constant 0 : i32
      %add3A_472 = arith.addi %add3A_470, %add3A_471 : i32
      %dma_start3A = tpu.memref_slice %arg2[%add3A_472] : memref<16777216xf32, #tpu.memory_space<hbm>> -> memref<32768xf32, #tpu.memory_space<hbm>>
      %dma_start3A_473 = tpu.memref_slice %arg2[%add3A_472] : memref<16777216xf32, #tpu.memory_space<hbm>> -> memref<32768xf32, #tpu.memory_space<hbm>>
      tpu.enqueue_dma source(%dma_start3A_473 : memref<32768xf32, #tpu.memory_space<hbm>>) target(%arg9 : memref<32768xf32, #tpu.memory_space<vmem>>) target_semaphore(%arg12 : memref<!tpu.dma_semaphore, #tpu.memory_space<semaphore_mem>>)
    } else {
    }
    %slice3A_28 = vector.extract_strided_slice %get3A_4 {offsets = [0], sizes = [1], strides = [1]} : vector<16xi32> to vector<1xi32>
    %squeeze3A_29 = vector.extract %slice3A_28[0] : i32 from vector<1xi32>
    %ne3A_30 = arith.constant 0 : i32
    %ne3A_31 = arith.cmpi ne, %squeeze3A_29, %ne3A_30 : i32
    %convert_element_type3A_32 = arith.extui %ne3A_31 : i1 to i32
    %cond3A_33 = arith.constant 0 : i32
    %cond3A_34 = arith.cmpi ne, %convert_element_type3A_32, %cond3A_33 : i32
    scf.if %cond3A_34 {
      %add3A_469 = arith.constant 0 : i32
      %add3A_470 = arith.addi %add3A_469, %mul3A_2 : i32
      %add3A_471 = arith.constant 0 : i32
      %add3A_472 = arith.addi %add3A_470, %add3A_471 : i32
      %dma_wait3A_473 = tpu.memref_slice %arg2[%add3A_472] : memref<16777216xf32, #tpu.memory_space<hbm>> -> memref<32768xf32, #tpu.memory_space<hbm>>
      %dma_wait3A_474 = tpu.memref_slice %arg2[%add3A_472] : memref<16777216xf32, #tpu.memory_space<hbm>> -> memref<32768xf32, #tpu.memory_space<hbm>>
      tpu.wait_dma2 semaphore(%arg10 : memref<!tpu.dma_semaphore, #tpu.memory_space<semaphore_mem>>) src(%dma_wait3A_474 : memref<32768xf32, #tpu.memory_space<hbm>>) dst(%arg7 : memref<32768xf32, #tpu.memory_space<vmem>>)
      %add3A_475 = arith.constant 0 : i32
      %add3A_476 = arith.addi %add3A_475, %mul3A_2 : i32
      %add3A_477 = arith.constant 0 : i32
      %add3A_478 = arith.addi %add3A_476, %add3A_477 : i32
      %dma_start3A = tpu.memref_slice %arg4[%add3A_478] : memref<16777216xf32, #tpu.memory_space<hbm>> -> memref<32768xf32, #tpu.memory_space<hbm>>
      %dma_start3A_479 = tpu.memref_slice %arg4[%add3A_478] : memref<16777216xf32, #tpu.memory_space<hbm>> -> memref<32768xf32, #tpu.memory_space<hbm>>
      tpu.enqueue_dma source(%arg7 : memref<32768xf32, #tpu.memory_space<vmem>>) target(%dma_start3A_479 : memref<32768xf32, #tpu.memory_space<hbm>>) target_semaphore(%arg13 : memref<!tpu.dma_semaphore, #tpu.memory_space<semaphore_mem>>)
    } else {
    }
    %add3A_35 = arith.constant 0 : i32
    %add3A_36 = arith.addi %add3A_35, %mul3A_2 : i32
    %add3A_37 = arith.constant 0 : i32
    %add3A_38 = arith.addi %add3A_36, %add3A_37 : i32
    %eq3A = arith.constant 0 : i32
    %eq3A_39 = arith.cmpi eq, %squeeze3A_29, %eq3A : i32
    %convert_element_type3A_40 = arith.extui %eq3A_39 : i1 to i32
    %cond3A_41 = arith.constant 0 : i32
    %cond3A_42 = arith.cmpi ne, %convert_element_type3A_40, %cond3A_41 : i32
    scf.if %cond3A_42 {
      %dma_start3A = tpu.memref_slice %arg4[%add3A_38] : memref<16777216xf32, #tpu.memory_space<hbm>> -> memref<16384xf32, #tpu.memory_space<hbm>>
      %dma_start3A_469 = tpu.memref_slice %arg4[%add3A_38] : memref<16777216xf32, #tpu.memory_space<hbm>> -> memref<16384xf32, #tpu.memory_space<hbm>>
      tpu.enqueue_dma source(%arg6 : memref<16384xf32, #tpu.memory_space<vmem>>) target(%dma_start3A_469 : memref<16384xf32, #tpu.memory_space<hbm>>) target_semaphore(%arg13 : memref<!tpu.dma_semaphore, #tpu.memory_space<semaphore_mem>>)
      %add3A_470 = arith.constant 16384 : i32
      %add3A_471 = arith.addi %add3A_38, %add3A_470 : i32
      %dma_start3A_472 = tpu.memref_slice %arg4[%add3A_471] : memref<16777216xf32, #tpu.memory_space<hbm>> -> memref<16384xf32, #tpu.memory_space<hbm>>
      %dma_start3A_473 = tpu.memref_slice %arg4[%add3A_471] : memref<16777216xf32, #tpu.memory_space<hbm>> -> memref<16384xf32, #tpu.memory_space<hbm>>
      tpu.enqueue_dma source(%arg6 : memref<16384xf32, #tpu.memory_space<vmem>>) target(%dma_start3A_473 : memref<16384xf32, #tpu.memory_space<hbm>>) target_semaphore(%arg13 : memref<!tpu.dma_semaphore, #tpu.memory_space<semaphore_mem>>)
    } else {
    }
    %add3A_43 = arith.constant 2097152 : i32
    %add3A_44 = arith.addi %add3A_43, %mul3A_2 : i32
    %add3A_45 = arith.constant 32768 : i32
    %add3A_46 = arith.addi %add3A_44, %add3A_45 : i32
    %dma_wait3A = tpu.memref_slice %arg4[%add3A_46] : memref<16777216xf32, #tpu.memory_space<hbm>> -> memref<32768xf32, #tpu.memory_space<hbm>>
    %dma_wait3A_47 = tpu.memref_slice %arg4[%add3A_46] : memref<16777216xf32, #tpu.memory_space<hbm>> -> memref<32768xf32, #tpu.memory_space<hbm>>
    tpu.wait_dma2 semaphore(%arg13 : memref<!tpu.dma_semaphore, #tpu.memory_space<semaphore_mem>>) src(%arg7 : memref<32768xf32, #tpu.memory_space<vmem>>) dst(%dma_wait3A_47 : memref<32768xf32, #tpu.memory_space<hbm>>)
    %slice3A_48 = vector.extract_strided_slice %get3A_4 {offsets = [1], sizes = [1], strides = [1]} : vector<16xi32> to vector<1xi32>
    %squeeze3A_49 = vector.extract %slice3A_48[0] : i32 from vector<1xi32>
    %ne3A_50 = arith.constant 0 : i32
    %ne3A_51 = arith.cmpi ne, %squeeze3A_49, %ne3A_50 : i32
    %convert_element_type3A_52 = arith.extui %ne3A_51 : i1 to i32
    %cond3A_53 = arith.constant 0 : i32
    %cond3A_54 = arith.cmpi ne, %convert_element_type3A_52, %cond3A_53 : i32
    scf.if %cond3A_54 {
      %add3A_469 = arith.constant 2097152 : i32
      %add3A_470 = arith.addi %add3A_469, %mul3A_2 : i32
      %add3A_471 = arith.constant 32768 : i32
      %add3A_472 = arith.addi %add3A_470, %add3A_471 : i32
      %dma_start3A = tpu.memref_slice %arg2[%add3A_472] : memref<16777216xf32, #tpu.memory_space<hbm>> -> memref<32768xf32, #tpu.memory_space<hbm>>
      %dma_start3A_473 = tpu.memref_slice %arg2[%add3A_472] : memref<16777216xf32, #tpu.memory_space<hbm>> -> memref<32768xf32, #tpu.memory_space<hbm>>
      tpu.enqueue_dma source(%dma_start3A_473 : memref<32768xf32, #tpu.memory_space<hbm>>) target(%arg7 : memref<32768xf32, #tpu.memory_space<vmem>>) target_semaphore(%arg10 : memref<!tpu.dma_semaphore, #tpu.memory_space<semaphore_mem>>)
    } else {
    }
    %slice3A_55 = vector.extract_strided_slice %get3A_4 {offsets = [0], sizes = [1], strides = [1]} : vector<16xi32> to vector<1xi32>
    %squeeze3A_56 = vector.extract %slice3A_55[0] : i32 from vector<1xi32>
    %ne3A_57 = arith.constant 0 : i32
    %ne3A_58 = arith.cmpi ne, %squeeze3A_56, %ne3A_57 : i32
    %convert_element_type3A_59 = arith.extui %ne3A_58 : i1 to i32
    %cond3A_60 = arith.constant 0 : i32
    %cond3A_61 = arith.cmpi ne, %convert_element_type3A_59, %cond3A_60 : i32
    scf.if %cond3A_61 {
      %add3A_469 = arith.constant 0 : i32
      %add3A_470 = arith.addi %add3A_469, %mul3A_2 : i32
      %add3A_471 = arith.constant 32768 : i32
      %add3A_472 = arith.addi %add3A_470, %add3A_471 : i32
      %dma_wait3A_473 = tpu.memref_slice %arg2[%add3A_472] : memref<16777216xf32, #tpu.memory_space<hbm>> -> memref<32768xf32, #tpu.memory_space<hbm>>
      %dma_wait3A_474 = tpu.memref_slice %arg2[%add3A_472] : memref<16777216xf32, #tpu.memory_space<hbm>> -> memref<32768xf32, #tpu.memory_space<hbm>>
      tpu.wait_dma2 semaphore(%arg11 : memref<!tpu.dma_semaphore, #tpu.memory_space<semaphore_mem>>) src(%dma_wait3A_474 : memref<32768xf32, #tpu.memory_space<hbm>>) dst(%arg8 : memref<32768xf32, #tpu.memory_space<vmem>>)
      %add3A_475 = arith.constant 0 : i32
      %add3A_476 = arith.addi %add3A_475, %mul3A_2 : i32
      %add3A_477 = arith.constant 32768 : i32
      %add3A_478 = arith.addi %add3A_476, %add3A_477 : i32
      %dma_start3A = tpu.memref_slice %arg4[%add3A_478] : memref<16777216xf32, #tpu.memory_space<hbm>> -> memref<32768xf32, #tpu.memory_space<hbm>>
      %dma_start3A_479 = tpu.memref_slice %arg4[%add3A_478] : memref<16777216xf32, #tpu.memory_space<hbm>> -> memref<32768xf32, #tpu.memory_space<hbm>>
      tpu.enqueue_dma source(%arg8 : memref<32768xf32, #tpu.memory_space<vmem>>) target(%dma_start3A_479 : memref<32768xf32, #tpu.memory_space<hbm>>) target_semaphore(%arg14 : memref<!tpu.dma_semaphore, #tpu.memory_space<semaphore_mem>>)
    } else {
    }
    %add3A_62 = arith.constant 0 : i32
    %add3A_63 = arith.addi %add3A_62, %mul3A_2 : i32
    %add3A_64 = arith.constant 32768 : i32
    %add3A_65 = arith.addi %add3A_63, %add3A_64 : i32
    %eq3A_66 = arith.constant 0 : i32
    %eq3A_67 = arith.cmpi eq, %squeeze3A_56, %eq3A_66 : i32
    %convert_element_type3A_68 = arith.extui %eq3A_67 : i1 to i32
    %cond3A_69 = arith.constant 0 : i32
    %cond3A_70 = arith.cmpi ne, %convert_element_type3A_68, %cond3A_69 : i32
    scf.if %cond3A_70 {
      %dma_start3A = tpu.memref_slice %arg4[%add3A_65] : memref<16777216xf32, #tpu.memory_space<hbm>> -> memref<16384xf32, #tpu.memory_space<hbm>>
      %dma_start3A_469 = tpu.memref_slice %arg4[%add3A_65] : memref<16777216xf32, #tpu.memory_space<hbm>> -> memref<16384xf32, #tpu.memory_space<hbm>>
      tpu.enqueue_dma source(%arg6 : memref<16384xf32, #tpu.memory_space<vmem>>) target(%dma_start3A_469 : memref<16384xf32, #tpu.memory_space<hbm>>) target_semaphore(%arg14 : memref<!tpu.dma_semaphore, #tpu.memory_space<semaphore_mem>>)
      %add3A_470 = arith.constant 16384 : i32
      %add3A_471 = arith.addi %add3A_65, %add3A_470 : i32
      %dma_start3A_472 = tpu.memref_slice %arg4[%add3A_471] : memref<16777216xf32, #tpu.memory_space<hbm>> -> memref<16384xf32, #tpu.memory_space<hbm>>
      %dma_start3A_473 = tpu.memref_slice %arg4[%add3A_471] : memref<16777216xf32, #tpu.memory_space<hbm>> -> memref<16384xf32, #tpu.memory_space<hbm>>
      tpu.enqueue_dma source(%arg6 : memref<16384xf32, #tpu.memory_space<vmem>>) target(%dma_start3A_473 : memref<16384xf32, #tpu.memory_space<hbm>>) target_semaphore(%arg14 : memref<!tpu.dma_semaphore, #tpu.memory_space<semaphore_mem>>)
    } else {
    }
    %add3A_71 = arith.constant 4194304 : i32
    %add3A_72 = arith.addi %add3A_71, %mul3A_2 : i32
    %add3A_73 = arith.constant 0 : i32
    %add3A_74 = arith.addi %add3A_72, %add3A_73 : i32
    %dma_wait3A_75 = tpu.memref_slice %arg4[%add3A_74] : memref<16777216xf32, #tpu.memory_space<hbm>> -> memref<32768xf32, #tpu.memory_space<hbm>>
    %dma_wait3A_76 = tpu.memref_slice %arg4[%add3A_74] : memref<16777216xf32, #tpu.memory_space<hbm>> -> memref<32768xf32, #tpu.memory_space<hbm>>
    tpu.wait_dma2 semaphore(%arg14 : memref<!tpu.dma_semaphore, #tpu.memory_space<semaphore_mem>>) src(%arg8 : memref<32768xf32, #tpu.memory_space<vmem>>) dst(%dma_wait3A_76 : memref<32768xf32, #tpu.memory_space<hbm>>)
    %slice3A_77 = vector.extract_strided_slice %get3A_4 {offsets = [2], sizes = [1], strides = [1]} : vector<16xi32> to vector<1xi32>
    %squeeze3A_78 = vector.extract %slice3A_77[0] : i32 from vector<1xi32>
    %ne3A_79 = arith.constant 0 : i32
    %ne3A_80 = arith.cmpi ne, %squeeze3A_78, %ne3A_79 : i32
    %convert_element_type3A_81 = arith.extui %ne3A_80 : i1 to i32
    %cond3A_82 = arith.constant 0 : i32
    %cond3A_83 = arith.cmpi ne, %convert_element_type3A_81, %cond3A_82 : i32
    scf.if %cond3A_83 {
      %add3A_469 = arith.constant 4194304 : i32
      %add3A_470 = arith.addi %add3A_469, %mul3A_2 : i32
      %add3A_471 = arith.constant 0 : i32
      %add3A_472 = arith.addi %add3A_470, %add3A_471 : i32
      %dma_start3A = tpu.memref_slice %arg2[%add3A_472] : memref<16777216xf32, #tpu.memory_space<hbm>> -> memref<32768xf32, #tpu.memory_space<hbm>>
      %dma_start3A_473 = tpu.memref_slice %arg2[%add3A_472] : memref<16777216xf32, #tpu.memory_space<hbm>> -> memref<32768xf32, #tpu.memory_space<hbm>>
      tpu.enqueue_dma source(%dma_start3A_473 : memref<32768xf32, #tpu.memory_space<hbm>>) target(%arg8 : memref<32768xf32, #tpu.memory_space<vmem>>) target_semaphore(%arg11 : memref<!tpu.dma_semaphore, #tpu.memory_space<semaphore_mem>>)
    } else {
    }
    %slice3A_84 = vector.extract_strided_slice %get3A_4 {offsets = [1], sizes = [1], strides = [1]} : vector<16xi32> to vector<1xi32>
    %squeeze3A_85 = vector.extract %slice3A_84[0] : i32 from vector<1xi32>
    %ne3A_86 = arith.constant 0 : i32
    %ne3A_87 = arith.cmpi ne, %squeeze3A_85, %ne3A_86 : i32
    %convert_element_type3A_88 = arith.extui %ne3A_87 : i1 to i32
    %cond3A_89 = arith.constant 0 : i32
    %cond3A_90 = arith.cmpi ne, %convert_element_type3A_88, %cond3A_89 : i32
    scf.if %cond3A_90 {
      %add3A_469 = arith.constant 2097152 : i32
      %add3A_470 = arith.addi %add3A_469, %mul3A_2 : i32
      %add3A_471 = arith.constant 0 : i32
      %add3A_472 = arith.addi %add3A_470, %add3A_471 : i32
      %dma_wait3A_473 = tpu.memref_slice %arg2[%add3A_472] : memref<16777216xf32, #tpu.memory_space<hbm>> -> memref<32768xf32, #tpu.memory_space<hbm>>
      %dma_wait3A_474 = tpu.memref_slice %arg2[%add3A_472] : memref<16777216xf32, #tpu.memory_space<hbm>> -> memref<32768xf32, #tpu.memory_space<hbm>>
      tpu.wait_dma2 semaphore(%arg12 : memref<!tpu.dma_semaphore, #tpu.memory_space<semaphore_mem>>) src(%dma_wait3A_474 : memref<32768xf32, #tpu.memory_space<hbm>>) dst(%arg9 : memref<32768xf32, #tpu.memory_space<vmem>>)
      %add3A_475 = arith.constant 2097152 : i32
      %add3A_476 = arith.addi %add3A_475, %mul3A_2 : i32
      %add3A_477 = arith.constant 0 : i32
      %add3A_478 = arith.addi %add3A_476, %add3A_477 : i32
      %dma_start3A = tpu.memref_slice %arg4[%add3A_478] : memref<16777216xf32, #tpu.memory_space<hbm>> -> memref<32768xf32, #tpu.memory_space<hbm>>
      %dma_start3A_479 = tpu.memref_slice %arg4[%add3A_478] : memref<16777216xf32, #tpu.memory_space<hbm>> -> memref<32768xf32, #tpu.memory_space<hbm>>
      tpu.enqueue_dma source(%arg9 : memref<32768xf32, #tpu.memory_space<vmem>>) target(%dma_start3A_479 : memref<32768xf32, #tpu.memory_space<hbm>>) target_semaphore(%arg15 : memref<!tpu.dma_semaphore, #tpu.memory_space<semaphore_mem>>)
    } else {
    }
    %add3A_91 = arith.constant 2097152 : i32
    %add3A_92 = arith.addi %add3A_91, %mul3A_2 : i32
    %add3A_93 = arith.constant 0 : i32
    %add3A_94 = arith.addi %add3A_92, %add3A_93 : i32
    %eq3A_95 = arith.constant 0 : i32
    %eq3A_96 = arith.cmpi eq, %squeeze3A_85, %eq3A_95 : i32
    %convert_element_type3A_97 = arith.extui %eq3A_96 : i1 to i32
    %cond3A_98 = arith.constant 0 : i32
    %cond3A_99 = arith.cmpi ne, %convert_element_type3A_97, %cond3A_98 : i32
    scf.if %cond3A_99 {
      %dma_start3A = tpu.memref_slice %arg4[%add3A_94] : memref<16777216xf32, #tpu.memory_space<hbm>> -> memref<16384xf32, #tpu.memory_space<hbm>>
      %dma_start3A_469 = tpu.memref_slice %arg4[%add3A_94] : memref<16777216xf32, #tpu.memory_space<hbm>> -> memref<16384xf32, #tpu.memory_space<hbm>>
      tpu.enqueue_dma source(%arg6 : memref<16384xf32, #tpu.memory_space<vmem>>) target(%dma_start3A_469 : memref<16384xf32, #tpu.memory_space<hbm>>) target_semaphore(%arg15 : memref<!tpu.dma_semaphore, #tpu.memory_space<semaphore_mem>>)
      %add3A_470 = arith.constant 16384 : i32
      %add3A_471 = arith.addi %add3A_94, %add3A_470 : i32
      %dma_start3A_472 = tpu.memref_slice %arg4[%add3A_471] : memref<16777216xf32, #tpu.memory_space<hbm>> -> memref<16384xf32, #tpu.memory_space<hbm>>
      %dma_start3A_473 = tpu.memref_slice %arg4[%add3A_471] : memref<16777216xf32, #tpu.memory_space<hbm>> -> memref<16384xf32, #tpu.memory_space<hbm>>
      tpu.enqueue_dma source(%arg6 : memref<16384xf32, #tpu.memory_space<vmem>>) target(%dma_start3A_473 : memref<16384xf32, #tpu.memory_space<hbm>>) target_semaphore(%arg15 : memref<!tpu.dma_semaphore, #tpu.memory_space<semaphore_mem>>)
    } else {
    }
    %add3A_100 = arith.constant 4194304 : i32
    %add3A_101 = arith.addi %add3A_100, %mul3A_2 : i32
    %add3A_102 = arith.constant 32768 : i32
    %add3A_103 = arith.addi %add3A_101, %add3A_102 : i32
    %dma_wait3A_104 = tpu.memref_slice %arg4[%add3A_103] : memref<16777216xf32, #tpu.memory_space<hbm>> -> memref<32768xf32, #tpu.memory_space<hbm>>
    %dma_wait3A_105 = tpu.memref_slice %arg4[%add3A_103] : memref<16777216xf32, #tpu.memory_space<hbm>> -> memref<32768xf32, #tpu.memory_space<hbm>>
    tpu.wait_dma2 semaphore(%arg15 : memref<!tpu.dma_semaphore, #tpu.memory_space<semaphore_mem>>) src(%arg9 : memref<32768xf32, #tpu.memory_space<vmem>>) dst(%dma_wait3A_105 : memref<32768xf32, #tpu.memory_space<hbm>>)
    %slice3A_106 = vector.extract_strided_slice %get3A_4 {offsets = [2], sizes = [1], strides = [1]} : vector<16xi32> to vector<1xi32>
    %squeeze3A_107 = vector.extract %slice3A_106[0] : i32 from vector<1xi32>
    %ne3A_108 = arith.constant 0 : i32
    %ne3A_109 = arith.cmpi ne, %squeeze3A_107, %ne3A_108 : i32
    %convert_element_type3A_110 = arith.extui %ne3A_109 : i1 to i32
    %cond3A_111 = arith.constant 0 : i32
    %cond3A_112 = arith.cmpi ne, %convert_element_type3A_110, %cond3A_111 : i32
    scf.if %cond3A_112 {
      %add3A_469 = arith.constant 4194304 : i32
      %add3A_470 = arith.addi %add3A_469, %mul3A_2 : i32
      %add3A_471 = arith.constant 32768 : i32
      %add3A_472 = arith.addi %add3A_470, %add3A_471 : i32
      %dma_start3A = tpu.memref_slice %arg2[%add3A_472] : memref<16777216xf32, #tpu.memory_space<hbm>> -> memref<32768xf32, #tpu.memory_space<hbm>>
      %dma_start3A_473 = tpu.memref_slice %arg2[%add3A_472] : memref<16777216xf32, #tpu.memory_space<hbm>> -> memref<32768xf32, #tpu.memory_space<hbm>>
      tpu.enqueue_dma source(%dma_start3A_473 : memref<32768xf32, #tpu.memory_space<hbm>>) target(%arg9 : memref<32768xf32, #tpu.memory_space<vmem>>) target_semaphore(%arg12 : memref<!tpu.dma_semaphore, #tpu.memory_space<semaphore_mem>>)
    } else {
    }
    %slice3A_113 = vector.extract_strided_slice %get3A_4 {offsets = [1], sizes = [1], strides = [1]} : vector<16xi32> to vector<1xi32>
    %squeeze3A_114 = vector.extract %slice3A_113[0] : i32 from vector<1xi32>
    %ne3A_115 = arith.constant 0 : i32
    %ne3A_116 = arith.cmpi ne, %squeeze3A_114, %ne3A_115 : i32
    %convert_element_type3A_117 = arith.extui %ne3A_116 : i1 to i32
    %cond3A_118 = arith.constant 0 : i32
    %cond3A_119 = arith.cmpi ne, %convert_element_type3A_117, %cond3A_118 : i32
    scf.if %cond3A_119 {
      %add3A_469 = arith.constant 2097152 : i32
      %add3A_470 = arith.addi %add3A_469, %mul3A_2 : i32
      %add3A_471 = arith.constant 32768 : i32
      %add3A_472 = arith.addi %add3A_470, %add3A_471 : i32
      %dma_wait3A_473 = tpu.memref_slice %arg2[%add3A_472] : memref<16777216xf32, #tpu.memory_space<hbm>> -> memref<32768xf32, #tpu.memory_space<hbm>>
      %dma_wait3A_474 = tpu.memref_slice %arg2[%add3A_472] : memref<16777216xf32, #tpu.memory_space<hbm>> -> memref<32768xf32, #tpu.memory_space<hbm>>
      tpu.wait_dma2 semaphore(%arg10 : memref<!tpu.dma_semaphore, #tpu.memory_space<semaphore_mem>>) src(%dma_wait3A_474 : memref<32768xf32, #tpu.memory_space<hbm>>) dst(%arg7 : memref<32768xf32, #tpu.memory_space<vmem>>)
      %add3A_475 = arith.constant 2097152 : i32
      %add3A_476 = arith.addi %add3A_475, %mul3A_2 : i32
      %add3A_477 = arith.constant 32768 : i32
      %add3A_478 = arith.addi %add3A_476, %add3A_477 : i32
      %dma_start3A = tpu.memref_slice %arg4[%add3A_478] : memref<16777216xf32, #tpu.memory_space<hbm>> -> memref<32768xf32, #tpu.memory_space<hbm>>
      %dma_start3A_479 = tpu.memref_slice %arg4[%add3A_478] : memref<16777216xf32, #tpu.memory_space<hbm>> -> memref<32768xf32, #tpu.memory_space<hbm>>
      tpu.enqueue_dma source(%arg7 : memref<32768xf32, #tpu.memory_space<vmem>>) target(%dma_start3A_479 : memref<32768xf32, #tpu.memory_space<hbm>>) target_semaphore(%arg13 : memref<!tpu.dma_semaphore, #tpu.memory_space<semaphore_mem>>)
    } else {
    }
    %add3A_120 = arith.constant 2097152 : i32
    %add3A_121 = arith.addi %add3A_120, %mul3A_2 : i32
    %add3A_122 = arith.constant 32768 : i32
    %add3A_123 = arith.addi %add3A_121, %add3A_122 : i32
    %eq3A_124 = arith.constant 0 : i32
    %eq3A_125 = arith.cmpi eq, %squeeze3A_114, %eq3A_124 : i32
    %convert_element_type3A_126 = arith.extui %eq3A_125 : i1 to i32
    %cond3A_127 = arith.constant 0 : i32
    %cond3A_128 = arith.cmpi ne, %convert_element_type3A_126, %cond3A_127 : i32
    scf.if %cond3A_128 {
      %dma_start3A = tpu.memref_slice %arg4[%add3A_123] : memref<16777216xf32, #tpu.memory_space<hbm>> -> memref<16384xf32, #tpu.memory_space<hbm>>
      %dma_start3A_469 = tpu.memref_slice %arg4[%add3A_123] : memref<16777216xf32, #tpu.memory_space<hbm>> -> memref<16384xf32, #tpu.memory_space<hbm>>
      tpu.enqueue_dma source(%arg6 : memref<16384xf32, #tpu.memory_space<vmem>>) target(%dma_start3A_469 : memref<16384xf32, #tpu.memory_space<hbm>>) target_semaphore(%arg13 : memref<!tpu.dma_semaphore, #tpu.memory_space<semaphore_mem>>)
      %add3A_470 = arith.constant 16384 : i32
      %add3A_471 = arith.addi %add3A_123, %add3A_470 : i32
      %dma_start3A_472 = tpu.memref_slice %arg4[%add3A_471] : memref<16777216xf32, #tpu.memory_space<hbm>> -> memref<16384xf32, #tpu.memory_space<hbm>>
      %dma_start3A_473 = tpu.memref_slice %arg4[%add3A_471] : memref<16777216xf32, #tpu.memory_space<hbm>> -> memref<16384xf32, #tpu.memory_space<hbm>>
      tpu.enqueue_dma source(%arg6 : memref<16384xf32, #tpu.memory_space<vmem>>) target(%dma_start3A_473 : memref<16384xf32, #tpu.memory_space<hbm>>) target_semaphore(%arg13 : memref<!tpu.dma_semaphore, #tpu.memory_space<semaphore_mem>>)
    } else {
    }
    %add3A_129 = arith.constant 6291456 : i32
    %add3A_130 = arith.addi %add3A_129, %mul3A_2 : i32
    %add3A_131 = arith.constant 0 : i32
    %add3A_132 = arith.addi %add3A_130, %add3A_131 : i32
    %dma_wait3A_133 = tpu.memref_slice %arg4[%add3A_132] : memref<16777216xf32, #tpu.memory_space<hbm>> -> memref<32768xf32, #tpu.memory_space<hbm>>
    %dma_wait3A_134 = tpu.memref_slice %arg4[%add3A_132] : memref<16777216xf32, #tpu.memory_space<hbm>> -> memref<32768xf32, #tpu.memory_space<hbm>>
    tpu.wait_dma2 semaphore(%arg13 : memref<!tpu.dma_semaphore, #tpu.memory_space<semaphore_mem>>) src(%arg7 : memref<32768xf32, #tpu.memory_space<vmem>>) dst(%dma_wait3A_134 : memref<32768xf32, #tpu.memory_space<hbm>>)
    %slice3A_135 = vector.extract_strided_slice %get3A_4 {offsets = [3], sizes = [1], strides = [1]} : vector<16xi32> to vector<1xi32>
    %squeeze3A_136 = vector.extract %slice3A_135[0] : i32 from vector<1xi32>
    %ne3A_137 = arith.constant 0 : i32
    %ne3A_138 = arith.cmpi ne, %squeeze3A_136, %ne3A_137 : i32
    %convert_element_type3A_139 = arith.extui %ne3A_138 : i1 to i32
    %cond3A_140 = arith.constant 0 : i32
    %cond3A_141 = arith.cmpi ne, %convert_element_type3A_139, %cond3A_140 : i32
    scf.if %cond3A_141 {
      %add3A_469 = arith.constant 6291456 : i32
      %add3A_470 = arith.addi %add3A_469, %mul3A_2 : i32
      %add3A_471 = arith.constant 0 : i32
      %add3A_472 = arith.addi %add3A_470, %add3A_471 : i32
      %dma_start3A = tpu.memref_slice %arg2[%add3A_472] : memref<16777216xf32, #tpu.memory_space<hbm>> -> memref<32768xf32, #tpu.memory_space<hbm>>
      %dma_start3A_473 = tpu.memref_slice %arg2[%add3A_472] : memref<16777216xf32, #tpu.memory_space<hbm>> -> memref<32768xf32, #tpu.memory_space<hbm>>
      tpu.enqueue_dma source(%dma_start3A_473 : memref<32768xf32, #tpu.memory_space<hbm>>) target(%arg7 : memref<32768xf32, #tpu.memory_space<vmem>>) target_semaphore(%arg10 : memref<!tpu.dma_semaphore, #tpu.memory_space<semaphore_mem>>)
    } else {
    }
    %slice3A_142 = vector.extract_strided_slice %get3A_4 {offsets = [2], sizes = [1], strides = [1]} : vector<16xi32> to vector<1xi32>
    %squeeze3A_143 = vector.extract %slice3A_142[0] : i32 from vector<1xi32>
    %ne3A_144 = arith.constant 0 : i32
    %ne3A_145 = arith.cmpi ne, %squeeze3A_143, %ne3A_144 : i32
    %convert_element_type3A_146 = arith.extui %ne3A_145 : i1 to i32
    %cond3A_147 = arith.constant 0 : i32
    %cond3A_148 = arith.cmpi ne, %convert_element_type3A_146, %cond3A_147 : i32
    scf.if %cond3A_148 {
      %add3A_469 = arith.constant 4194304 : i32
      %add3A_470 = arith.addi %add3A_469, %mul3A_2 : i32
      %add3A_471 = arith.constant 0 : i32
      %add3A_472 = arith.addi %add3A_470, %add3A_471 : i32
      %dma_wait3A_473 = tpu.memref_slice %arg2[%add3A_472] : memref<16777216xf32, #tpu.memory_space<hbm>> -> memref<32768xf32, #tpu.memory_space<hbm>>
      %dma_wait3A_474 = tpu.memref_slice %arg2[%add3A_472] : memref<16777216xf32, #tpu.memory_space<hbm>> -> memref<32768xf32, #tpu.memory_space<hbm>>
      tpu.wait_dma2 semaphore(%arg11 : memref<!tpu.dma_semaphore, #tpu.memory_space<semaphore_mem>>) src(%dma_wait3A_474 : memref<32768xf32, #tpu.memory_space<hbm>>) dst(%arg8 : memref<32768xf32, #tpu.memory_space<vmem>>)
      %add3A_475 = arith.constant 4194304 : i32
      %add3A_476 = arith.addi %add3A_475, %mul3A_2 : i32
      %add3A_477 = arith.constant 0 : i32
      %add3A_478 = arith.addi %add3A_476, %add3A_477 : i32
      %dma_start3A = tpu.memref_slice %arg4[%add3A_478] : memref<16777216xf32, #tpu.memory_space<hbm>> -> memref<32768xf32, #tpu.memory_space<hbm>>
      %dma_start3A_479 = tpu.memref_slice %arg4[%add3A_478] : memref<16777216xf32, #tpu.memory_space<hbm>> -> memref<32768xf32, #tpu.memory_space<hbm>>
      tpu.enqueue_dma source(%arg8 : memref<32768xf32, #tpu.memory_space<vmem>>) target(%dma_start3A_479 : memref<32768xf32, #tpu.memory_space<hbm>>) target_semaphore(%arg14 : memref<!tpu.dma_semaphore, #tpu.memory_space<semaphore_mem>>)
    } else {
    }
    %add3A_149 = arith.constant 4194304 : i32
    %add3A_150 = arith.addi %add3A_149, %mul3A_2 : i32
    %add3A_151 = arith.constant 0 : i32
    %add3A_152 = arith.addi %add3A_150, %add3A_151 : i32
    %eq3A_153 = arith.constant 0 : i32
    %eq3A_154 = arith.cmpi eq, %squeeze3A_143, %eq3A_153 : i32
    %convert_element_type3A_155 = arith.extui %eq3A_154 : i1 to i32
    %cond3A_156 = arith.constant 0 : i32
    %cond3A_157 = arith.cmpi ne, %convert_element_type3A_155, %cond3A_156 : i32
    scf.if %cond3A_157 {
      %dma_start3A = tpu.memref_slice %arg4[%add3A_152] : memref<16777216xf32, #tpu.memory_space<hbm>> -> memref<16384xf32, #tpu.memory_space<hbm>>
      %dma_start3A_469 = tpu.memref_slice %arg4[%add3A_152] : memref<16777216xf32, #tpu.memory_space<hbm>> -> memref<16384xf32, #tpu.memory_space<hbm>>
      tpu.enqueue_dma source(%arg6 : memref<16384xf32, #tpu.memory_space<vmem>>) target(%dma_start3A_469 : memref<16384xf32, #tpu.memory_space<hbm>>) target_semaphore(%arg14 : memref<!tpu.dma_semaphore, #tpu.memory_space<semaphore_mem>>)
      %add3A_470 = arith.constant 16384 : i32
      %add3A_471 = arith.addi %add3A_152, %add3A_470 : i32
      %dma_start3A_472 = tpu.memref_slice %arg4[%add3A_471] : memref<16777216xf32, #tpu.memory_space<hbm>> -> memref<16384xf32, #tpu.memory_space<hbm>>
      %dma_start3A_473 = tpu.memref_slice %arg4[%add3A_471] : memref<16777216xf32, #tpu.memory_space<hbm>> -> memref<16384xf32, #tpu.memory_space<hbm>>
      tpu.enqueue_dma source(%arg6 : memref<16384xf32, #tpu.memory_space<vmem>>) target(%dma_start3A_473 : memref<16384xf32, #tpu.memory_space<hbm>>) target_semaphore(%arg14 : memref<!tpu.dma_semaphore, #tpu.memory_space<semaphore_mem>>)
    } else {
    }
    %add3A_158 = arith.constant 6291456 : i32
    %add3A_159 = arith.addi %add3A_158, %mul3A_2 : i32
    %add3A_160 = arith.constant 32768 : i32
    %add3A_161 = arith.addi %add3A_159, %add3A_160 : i32
    %dma_wait3A_162 = tpu.memref_slice %arg4[%add3A_161] : memref<16777216xf32, #tpu.memory_space<hbm>> -> memref<32768xf32, #tpu.memory_space<hbm>>
    %dma_wait3A_163 = tpu.memref_slice %arg4[%add3A_161] : memref<16777216xf32, #tpu.memory_space<hbm>> -> memref<32768xf32, #tpu.memory_space<hbm>>
    tpu.wait_dma2 semaphore(%arg14 : memref<!tpu.dma_semaphore, #tpu.memory_space<semaphore_mem>>) src(%arg8 : memref<32768xf32, #tpu.memory_space<vmem>>) dst(%dma_wait3A_163 : memref<32768xf32, #tpu.memory_space<hbm>>)
    %slice3A_164 = vector.extract_strided_slice %get3A_4 {offsets = [3], sizes = [1], strides = [1]} : vector<16xi32> to vector<1xi32>
    %squeeze3A_165 = vector.extract %slice3A_164[0] : i32 from vector<1xi32>
    %ne3A_166 = arith.constant 0 : i32
    %ne3A_167 = arith.cmpi ne, %squeeze3A_165, %ne3A_166 : i32
    %convert_element_type3A_168 = arith.extui %ne3A_167 : i1 to i32
    %cond3A_169 = arith.constant 0 : i32
    %cond3A_170 = arith.cmpi ne, %convert_element_type3A_168, %cond3A_169 : i32
    scf.if %cond3A_170 {
      %add3A_469 = arith.constant 6291456 : i32
      %add3A_470 = arith.addi %add3A_469, %mul3A_2 : i32
      %add3A_471 = arith.constant 32768 : i32
      %add3A_472 = arith.addi %add3A_470, %add3A_471 : i32
      %dma_start3A = tpu.memref_slice %arg2[%add3A_472] : memref<16777216xf32, #tpu.memory_space<hbm>> -> memref<32768xf32, #tpu.memory_space<hbm>>
      %dma_start3A_473 = tpu.memref_slice %arg2[%add3A_472] : memref<16777216xf32, #tpu.memory_space<hbm>> -> memref<32768xf32, #tpu.memory_space<hbm>>
      tpu.enqueue_dma source(%dma_start3A_473 : memref<32768xf32, #tpu.memory_space<hbm>>) target(%arg8 : memref<32768xf32, #tpu.memory_space<vmem>>) target_semaphore(%arg11 : memref<!tpu.dma_semaphore, #tpu.memory_space<semaphore_mem>>)
    } else {
    }
    %slice3A_171 = vector.extract_strided_slice %get3A_4 {offsets = [2], sizes = [1], strides = [1]} : vector<16xi32> to vector<1xi32>
    %squeeze3A_172 = vector.extract %slice3A_171[0] : i32 from vector<1xi32>
    %ne3A_173 = arith.constant 0 : i32
    %ne3A_174 = arith.cmpi ne, %squeeze3A_172, %ne3A_173 : i32
    %convert_element_type3A_175 = arith.extui %ne3A_174 : i1 to i32
    %cond3A_176 = arith.constant 0 : i32
    %cond3A_177 = arith.cmpi ne, %convert_element_type3A_175, %cond3A_176 : i32
    scf.if %cond3A_177 {
      %add3A_469 = arith.constant 4194304 : i32
      %add3A_470 = arith.addi %add3A_469, %mul3A_2 : i32
      %add3A_471 = arith.constant 32768 : i32
      %add3A_472 = arith.addi %add3A_470, %add3A_471 : i32
      %dma_wait3A_473 = tpu.memref_slice %arg2[%add3A_472] : memref<16777216xf32, #tpu.memory_space<hbm>> -> memref<32768xf32, #tpu.memory_space<hbm>>
      %dma_wait3A_474 = tpu.memref_slice %arg2[%add3A_472] : memref<16777216xf32, #tpu.memory_space<hbm>> -> memref<32768xf32, #tpu.memory_space<hbm>>
      tpu.wait_dma2 semaphore(%arg12 : memref<!tpu.dma_semaphore, #tpu.memory_space<semaphore_mem>>) src(%dma_wait3A_474 : memref<32768xf32, #tpu.memory_space<hbm>>) dst(%arg9 : memref<32768xf32, #tpu.memory_space<vmem>>)
      %add3A_475 = arith.constant 4194304 : i32
      %add3A_476 = arith.addi %add3A_475, %mul3A_2 : i32
      %add3A_477 = arith.constant 32768 : i32
      %add3A_478 = arith.addi %add3A_476, %add3A_477 : i32
      %dma_start3A = tpu.memref_slice %arg4[%add3A_478] : memref<16777216xf32, #tpu.memory_space<hbm>> -> memref<32768xf32, #tpu.memory_space<hbm>>
      %dma_start3A_479 = tpu.memref_slice %arg4[%add3A_478] : memref<16777216xf32, #tpu.memory_space<hbm>> -> memref<32768xf32, #tpu.memory_space<hbm>>
      tpu.enqueue_dma source(%arg9 : memref<32768xf32, #tpu.memory_space<vmem>>) target(%dma_start3A_479 : memref<32768xf32, #tpu.memory_space<hbm>>) target_semaphore(%arg15 : memref<!tpu.dma_semaphore, #tpu.memory_space<semaphore_mem>>)
    } else {
    }
    %add3A_178 = arith.constant 4194304 : i32
    %add3A_179 = arith.addi %add3A_178, %mul3A_2 : i32
    %add3A_180 = arith.constant 32768 : i32
    %add3A_181 = arith.addi %add3A_179, %add3A_180 : i32
    %eq3A_182 = arith.constant 0 : i32
    %eq3A_183 = arith.cmpi eq, %squeeze3A_172, %eq3A_182 : i32
    %convert_element_type3A_184 = arith.extui %eq3A_183 : i1 to i32
    %cond3A_185 = arith.constant 0 : i32
    %cond3A_186 = arith.cmpi ne, %convert_element_type3A_184, %cond3A_185 : i32
    scf.if %cond3A_186 {
      %dma_start3A = tpu.memref_slice %arg4[%add3A_181] : memref<16777216xf32, #tpu.memory_space<hbm>> -> memref<16384xf32, #tpu.memory_space<hbm>>
      %dma_start3A_469 = tpu.memref_slice %arg4[%add3A_181] : memref<16777216xf32, #tpu.memory_space<hbm>> -> memref<16384xf32, #tpu.memory_space<hbm>>
      tpu.enqueue_dma source(%arg6 : memref<16384xf32, #tpu.memory_space<vmem>>) target(%dma_start3A_469 : memref<16384xf32, #tpu.memory_space<hbm>>) target_semaphore(%arg15 : memref<!tpu.dma_semaphore, #tpu.memory_space<semaphore_mem>>)
      %add3A_470 = arith.constant 16384 : i32
      %add3A_471 = arith.addi %add3A_181, %add3A_470 : i32
      %dma_start3A_472 = tpu.memref_slice %arg4[%add3A_471] : memref<16777216xf32, #tpu.memory_space<hbm>> -> memref<16384xf32, #tpu.memory_space<hbm>>
      %dma_start3A_473 = tpu.memref_slice %arg4[%add3A_471] : memref<16777216xf32, #tpu.memory_space<hbm>> -> memref<16384xf32, #tpu.memory_space<hbm>>
      tpu.enqueue_dma source(%arg6 : memref<16384xf32, #tpu.memory_space<vmem>>) target(%dma_start3A_473 : memref<16384xf32, #tpu.memory_space<hbm>>) target_semaphore(%arg15 : memref<!tpu.dma_semaphore, #tpu.memory_space<semaphore_mem>>)
    } else {
    }
    %add3A_187 = arith.constant 8388608 : i32
    %add3A_188 = arith.addi %add3A_187, %mul3A_2 : i32
    %add3A_189 = arith.constant 0 : i32
    %add3A_190 = arith.addi %add3A_188, %add3A_189 : i32
    %dma_wait3A_191 = tpu.memref_slice %arg4[%add3A_190] : memref<16777216xf32, #tpu.memory_space<hbm>> -> memref<32768xf32, #tpu.memory_space<hbm>>
    %dma_wait3A_192 = tpu.memref_slice %arg4[%add3A_190] : memref<16777216xf32, #tpu.memory_space<hbm>> -> memref<32768xf32, #tpu.memory_space<hbm>>
    tpu.wait_dma2 semaphore(%arg15 : memref<!tpu.dma_semaphore, #tpu.memory_space<semaphore_mem>>) src(%arg9 : memref<32768xf32, #tpu.memory_space<vmem>>) dst(%dma_wait3A_192 : memref<32768xf32, #tpu.memory_space<hbm>>)
    %slice3A_193 = vector.extract_strided_slice %get3A_4 {offsets = [4], sizes = [1], strides = [1]} : vector<16xi32> to vector<1xi32>
    %squeeze3A_194 = vector.extract %slice3A_193[0] : i32 from vector<1xi32>
    %ne3A_195 = arith.constant 0 : i32
    %ne3A_196 = arith.cmpi ne, %squeeze3A_194, %ne3A_195 : i32
    %convert_element_type3A_197 = arith.extui %ne3A_196 : i1 to i32
    %cond3A_198 = arith.constant 0 : i32
    %cond3A_199 = arith.cmpi ne, %convert_element_type3A_197, %cond3A_198 : i32
    scf.if %cond3A_199 {
      %add3A_469 = arith.constant 8388608 : i32
      %add3A_470 = arith.addi %add3A_469, %mul3A_2 : i32
      %add3A_471 = arith.constant 0 : i32
      %add3A_472 = arith.addi %add3A_470, %add3A_471 : i32
      %dma_start3A = tpu.memref_slice %arg2[%add3A_472] : memref<16777216xf32, #tpu.memory_space<hbm>> -> memref<32768xf32, #tpu.memory_space<hbm>>
      %dma_start3A_473 = tpu.memref_slice %arg2[%add3A_472] : memref<16777216xf32, #tpu.memory_space<hbm>> -> memref<32768xf32, #tpu.memory_space<hbm>>
      tpu.enqueue_dma source(%dma_start3A_473 : memref<32768xf32, #tpu.memory_space<hbm>>) target(%arg9 : memref<32768xf32, #tpu.memory_space<vmem>>) target_semaphore(%arg12 : memref<!tpu.dma_semaphore, #tpu.memory_space<semaphore_mem>>)
    } else {
    }
    %slice3A_200 = vector.extract_strided_slice %get3A_4 {offsets = [3], sizes = [1], strides = [1]} : vector<16xi32> to vector<1xi32>
    %squeeze3A_201 = vector.extract %slice3A_200[0] : i32 from vector<1xi32>
    %ne3A_202 = arith.constant 0 : i32
    %ne3A_203 = arith.cmpi ne, %squeeze3A_201, %ne3A_202 : i32
    %convert_element_type3A_204 = arith.extui %ne3A_203 : i1 to i32
    %cond3A_205 = arith.constant 0 : i32
    %cond3A_206 = arith.cmpi ne, %convert_element_type3A_204, %cond3A_205 : i32
    scf.if %cond3A_206 {
      %add3A_469 = arith.constant 6291456 : i32
      %add3A_470 = arith.addi %add3A_469, %mul3A_2 : i32
      %add3A_471 = arith.constant 0 : i32
      %add3A_472 = arith.addi %add3A_470, %add3A_471 : i32
      %dma_wait3A_473 = tpu.memref_slice %arg2[%add3A_472] : memref<16777216xf32, #tpu.memory_space<hbm>> -> memref<32768xf32, #tpu.memory_space<hbm>>
      %dma_wait3A_474 = tpu.memref_slice %arg2[%add3A_472] : memref<16777216xf32, #tpu.memory_space<hbm>> -> memref<32768xf32, #tpu.memory_space<hbm>>
      tpu.wait_dma2 semaphore(%arg10 : memref<!tpu.dma_semaphore, #tpu.memory_space<semaphore_mem>>) src(%dma_wait3A_474 : memref<32768xf32, #tpu.memory_space<hbm>>) dst(%arg7 : memref<32768xf32, #tpu.memory_space<vmem>>)
      %add3A_475 = arith.constant 6291456 : i32
      %add3A_476 = arith.addi %add3A_475, %mul3A_2 : i32
      %add3A_477 = arith.constant 0 : i32
      %add3A_478 = arith.addi %add3A_476, %add3A_477 : i32
      %dma_start3A = tpu.memref_slice %arg4[%add3A_478] : memref<16777216xf32, #tpu.memory_space<hbm>> -> memref<32768xf32, #tpu.memory_space<hbm>>
      %dma_start3A_479 = tpu.memref_slice %arg4[%add3A_478] : memref<16777216xf32, #tpu.memory_space<hbm>> -> memref<32768xf32, #tpu.memory_space<hbm>>
      tpu.enqueue_dma source(%arg7 : memref<32768xf32, #tpu.memory_space<vmem>>) target(%dma_start3A_479 : memref<32768xf32, #tpu.memory_space<hbm>>) target_semaphore(%arg13 : memref<!tpu.dma_semaphore, #tpu.memory_space<semaphore_mem>>)
    } else {
    }
    %add3A_207 = arith.constant 6291456 : i32
    %add3A_208 = arith.addi %add3A_207, %mul3A_2 : i32
    %add3A_209 = arith.constant 0 : i32
    %add3A_210 = arith.addi %add3A_208, %add3A_209 : i32
    %eq3A_211 = arith.constant 0 : i32
    %eq3A_212 = arith.cmpi eq, %squeeze3A_201, %eq3A_211 : i32
    %convert_element_type3A_213 = arith.extui %eq3A_212 : i1 to i32
    %cond3A_214 = arith.constant 0 : i32
    %cond3A_215 = arith.cmpi ne, %convert_element_type3A_213, %cond3A_214 : i32
    scf.if %cond3A_215 {
      %dma_start3A = tpu.memref_slice %arg4[%add3A_210] : memref<16777216xf32, #tpu.memory_space<hbm>> -> memref<16384xf32, #tpu.memory_space<hbm>>
      %dma_start3A_469 = tpu.memref_slice %arg4[%add3A_210] : memref<16777216xf32, #tpu.memory_space<hbm>> -> memref<16384xf32, #tpu.memory_space<hbm>>
      tpu.enqueue_dma source(%arg6 : memref<16384xf32, #tpu.memory_space<vmem>>) target(%dma_start3A_469 : memref<16384xf32, #tpu.memory_space<hbm>>) target_semaphore(%arg13 : memref<!tpu.dma_semaphore, #tpu.memory_space<semaphore_mem>>)
      %add3A_470 = arith.constant 16384 : i32
      %add3A_471 = arith.addi %add3A_210, %add3A_470 : i32
      %dma_start3A_472 = tpu.memref_slice %arg4[%add3A_471] : memref<16777216xf32, #tpu.memory_space<hbm>> -> memref<16384xf32, #tpu.memory_space<hbm>>
      %dma_start3A_473 = tpu.memref_slice %arg4[%add3A_471] : memref<16777216xf32, #tpu.memory_space<hbm>> -> memref<16384xf32, #tpu.memory_space<hbm>>
      tpu.enqueue_dma source(%arg6 : memref<16384xf32, #tpu.memory_space<vmem>>) target(%dma_start3A_473 : memref<16384xf32, #tpu.memory_space<hbm>>) target_semaphore(%arg13 : memref<!tpu.dma_semaphore, #tpu.memory_space<semaphore_mem>>)
    } else {
    }
    %add3A_216 = arith.constant 8388608 : i32
    %add3A_217 = arith.addi %add3A_216, %mul3A_2 : i32
    %add3A_218 = arith.constant 32768 : i32
    %add3A_219 = arith.addi %add3A_217, %add3A_218 : i32
    %dma_wait3A_220 = tpu.memref_slice %arg4[%add3A_219] : memref<16777216xf32, #tpu.memory_space<hbm>> -> memref<32768xf32, #tpu.memory_space<hbm>>
    %dma_wait3A_221 = tpu.memref_slice %arg4[%add3A_219] : memref<16777216xf32, #tpu.memory_space<hbm>> -> memref<32768xf32, #tpu.memory_space<hbm>>
    tpu.wait_dma2 semaphore(%arg13 : memref<!tpu.dma_semaphore, #tpu.memory_space<semaphore_mem>>) src(%arg7 : memref<32768xf32, #tpu.memory_space<vmem>>) dst(%dma_wait3A_221 : memref<32768xf32, #tpu.memory_space<hbm>>)
    %slice3A_222 = vector.extract_strided_slice %get3A_4 {offsets = [4], sizes = [1], strides = [1]} : vector<16xi32> to vector<1xi32>
    %squeeze3A_223 = vector.extract %slice3A_222[0] : i32 from vector<1xi32>
    %ne3A_224 = arith.constant 0 : i32
    %ne3A_225 = arith.cmpi ne, %squeeze3A_223, %ne3A_224 : i32
    %convert_element_type3A_226 = arith.extui %ne3A_225 : i1 to i32
    %cond3A_227 = arith.constant 0 : i32
    %cond3A_228 = arith.cmpi ne, %convert_element_type3A_226, %cond3A_227 : i32
    scf.if %cond3A_228 {
      %add3A_469 = arith.constant 8388608 : i32
      %add3A_470 = arith.addi %add3A_469, %mul3A_2 : i32
      %add3A_471 = arith.constant 32768 : i32
      %add3A_472 = arith.addi %add3A_470, %add3A_471 : i32
      %dma_start3A = tpu.memref_slice %arg2[%add3A_472] : memref<16777216xf32, #tpu.memory_space<hbm>> -> memref<32768xf32, #tpu.memory_space<hbm>>
      %dma_start3A_473 = tpu.memref_slice %arg2[%add3A_472] : memref<16777216xf32, #tpu.memory_space<hbm>> -> memref<32768xf32, #tpu.memory_space<hbm>>
      tpu.enqueue_dma source(%dma_start3A_473 : memref<32768xf32, #tpu.memory_space<hbm>>) target(%arg7 : memref<32768xf32, #tpu.memory_space<vmem>>) target_semaphore(%arg10 : memref<!tpu.dma_semaphore, #tpu.memory_space<semaphore_mem>>)
    } else {
    }
    %slice3A_229 = vector.extract_strided_slice %get3A_4 {offsets = [3], sizes = [1], strides = [1]} : vector<16xi32> to vector<1xi32>
    %squeeze3A_230 = vector.extract %slice3A_229[0] : i32 from vector<1xi32>
    %ne3A_231 = arith.constant 0 : i32
    %ne3A_232 = arith.cmpi ne, %squeeze3A_230, %ne3A_231 : i32
    %convert_element_type3A_233 = arith.extui %ne3A_232 : i1 to i32
    %cond3A_234 = arith.constant 0 : i32
    %cond3A_235 = arith.cmpi ne, %convert_element_type3A_233, %cond3A_234 : i32
    scf.if %cond3A_235 {
      %add3A_469 = arith.constant 6291456 : i32
      %add3A_470 = arith.addi %add3A_469, %mul3A_2 : i32
      %add3A_471 = arith.constant 32768 : i32
      %add3A_472 = arith.addi %add3A_470, %add3A_471 : i32
      %dma_wait3A_473 = tpu.memref_slice %arg2[%add3A_472] : memref<16777216xf32, #tpu.memory_space<hbm>> -> memref<32768xf32, #tpu.memory_space<hbm>>
      %dma_wait3A_474 = tpu.memref_slice %arg2[%add3A_472] : memref<16777216xf32, #tpu.memory_space<hbm>> -> memref<32768xf32, #tpu.memory_space<hbm>>
      tpu.wait_dma2 semaphore(%arg11 : memref<!tpu.dma_semaphore, #tpu.memory_space<semaphore_mem>>) src(%dma_wait3A_474 : memref<32768xf32, #tpu.memory_space<hbm>>) dst(%arg8 : memref<32768xf32, #tpu.memory_space<vmem>>)
      %add3A_475 = arith.constant 6291456 : i32
      %add3A_476 = arith.addi %add3A_475, %mul3A_2 : i32
      %add3A_477 = arith.constant 32768 : i32
      %add3A_478 = arith.addi %add3A_476, %add3A_477 : i32
      %dma_start3A = tpu.memref_slice %arg4[%add3A_478] : memref<16777216xf32, #tpu.memory_space<hbm>> -> memref<32768xf32, #tpu.memory_space<hbm>>
      %dma_start3A_479 = tpu.memref_slice %arg4[%add3A_478] : memref<16777216xf32, #tpu.memory_space<hbm>> -> memref<32768xf32, #tpu.memory_space<hbm>>
      tpu.enqueue_dma source(%arg8 : memref<32768xf32, #tpu.memory_space<vmem>>) target(%dma_start3A_479 : memref<32768xf32, #tpu.memory_space<hbm>>) target_semaphore(%arg14 : memref<!tpu.dma_semaphore, #tpu.memory_space<semaphore_mem>>)
    } else {
    }
    %add3A_236 = arith.constant 6291456 : i32
    %add3A_237 = arith.addi %add3A_236, %mul3A_2 : i32
    %add3A_238 = arith.constant 32768 : i32
    %add3A_239 = arith.addi %add3A_237, %add3A_238 : i32
    %eq3A_240 = arith.constant 0 : i32
    %eq3A_241 = arith.cmpi eq, %squeeze3A_230, %eq3A_240 : i32
    %convert_element_type3A_242 = arith.extui %eq3A_241 : i1 to i32
    %cond3A_243 = arith.constant 0 : i32
    %cond3A_244 = arith.cmpi ne, %convert_element_type3A_242, %cond3A_243 : i32
    scf.if %cond3A_244 {
      %dma_start3A = tpu.memref_slice %arg4[%add3A_239] : memref<16777216xf32, #tpu.memory_space<hbm>> -> memref<16384xf32, #tpu.memory_space<hbm>>
      %dma_start3A_469 = tpu.memref_slice %arg4[%add3A_239] : memref<16777216xf32, #tpu.memory_space<hbm>> -> memref<16384xf32, #tpu.memory_space<hbm>>
      tpu.enqueue_dma source(%arg6 : memref<16384xf32, #tpu.memory_space<vmem>>) target(%dma_start3A_469 : memref<16384xf32, #tpu.memory_space<hbm>>) target_semaphore(%arg14 : memref<!tpu.dma_semaphore, #tpu.memory_space<semaphore_mem>>)
      %add3A_470 = arith.constant 16384 : i32
      %add3A_471 = arith.addi %add3A_239, %add3A_470 : i32
      %dma_start3A_472 = tpu.memref_slice %arg4[%add3A_471] : memref<16777216xf32, #tpu.memory_space<hbm>> -> memref<16384xf32, #tpu.memory_space<hbm>>
      %dma_start3A_473 = tpu.memref_slice %arg4[%add3A_471] : memref<16777216xf32, #tpu.memory_space<hbm>> -> memref<16384xf32, #tpu.memory_space<hbm>>
      tpu.enqueue_dma source(%arg6 : memref<16384xf32, #tpu.memory_space<vmem>>) target(%dma_start3A_473 : memref<16384xf32, #tpu.memory_space<hbm>>) target_semaphore(%arg14 : memref<!tpu.dma_semaphore, #tpu.memory_space<semaphore_mem>>)
    } else {
    }
    %add3A_245 = arith.constant 10485760 : i32
    %add3A_246 = arith.addi %add3A_245, %mul3A_2 : i32
    %add3A_247 = arith.constant 0 : i32
    %add3A_248 = arith.addi %add3A_246, %add3A_247 : i32
    %dma_wait3A_249 = tpu.memref_slice %arg4[%add3A_248] : memref<16777216xf32, #tpu.memory_space<hbm>> -> memref<32768xf32, #tpu.memory_space<hbm>>
    %dma_wait3A_250 = tpu.memref_slice %arg4[%add3A_248] : memref<16777216xf32, #tpu.memory_space<hbm>> -> memref<32768xf32, #tpu.memory_space<hbm>>
    tpu.wait_dma2 semaphore(%arg14 : memref<!tpu.dma_semaphore, #tpu.memory_space<semaphore_mem>>) src(%arg8 : memref<32768xf32, #tpu.memory_space<vmem>>) dst(%dma_wait3A_250 : memref<32768xf32, #tpu.memory_space<hbm>>)
    %slice3A_251 = vector.extract_strided_slice %get3A_4 {offsets = [5], sizes = [1], strides = [1]} : vector<16xi32> to vector<1xi32>
    %squeeze3A_252 = vector.extract %slice3A_251[0] : i32 from vector<1xi32>
    %ne3A_253 = arith.constant 0 : i32
    %ne3A_254 = arith.cmpi ne, %squeeze3A_252, %ne3A_253 : i32
    %convert_element_type3A_255 = arith.extui %ne3A_254 : i1 to i32
    %cond3A_256 = arith.constant 0 : i32
    %cond3A_257 = arith.cmpi ne, %convert_element_type3A_255, %cond3A_256 : i32
    scf.if %cond3A_257 {
      %add3A_469 = arith.constant 10485760 : i32
      %add3A_470 = arith.addi %add3A_469, %mul3A_2 : i32
      %add3A_471 = arith.constant 0 : i32
      %add3A_472 = arith.addi %add3A_470, %add3A_471 : i32
      %dma_start3A = tpu.memref_slice %arg2[%add3A_472] : memref<16777216xf32, #tpu.memory_space<hbm>> -> memref<32768xf32, #tpu.memory_space<hbm>>
      %dma_start3A_473 = tpu.memref_slice %arg2[%add3A_472] : memref<16777216xf32, #tpu.memory_space<hbm>> -> memref<32768xf32, #tpu.memory_space<hbm>>
      tpu.enqueue_dma source(%dma_start3A_473 : memref<32768xf32, #tpu.memory_space<hbm>>) target(%arg8 : memref<32768xf32, #tpu.memory_space<vmem>>) target_semaphore(%arg11 : memref<!tpu.dma_semaphore, #tpu.memory_space<semaphore_mem>>)
    } else {
    }
    %slice3A_258 = vector.extract_strided_slice %get3A_4 {offsets = [4], sizes = [1], strides = [1]} : vector<16xi32> to vector<1xi32>
    %squeeze3A_259 = vector.extract %slice3A_258[0] : i32 from vector<1xi32>
    %ne3A_260 = arith.constant 0 : i32
    %ne3A_261 = arith.cmpi ne, %squeeze3A_259, %ne3A_260 : i32
    %convert_element_type3A_262 = arith.extui %ne3A_261 : i1 to i32
    %cond3A_263 = arith.constant 0 : i32
    %cond3A_264 = arith.cmpi ne, %convert_element_type3A_262, %cond3A_263 : i32
    scf.if %cond3A_264 {
      %add3A_469 = arith.constant 8388608 : i32
      %add3A_470 = arith.addi %add3A_469, %mul3A_2 : i32
      %add3A_471 = arith.constant 0 : i32
      %add3A_472 = arith.addi %add3A_470, %add3A_471 : i32
      %dma_wait3A_473 = tpu.memref_slice %arg2[%add3A_472] : memref<16777216xf32, #tpu.memory_space<hbm>> -> memref<32768xf32, #tpu.memory_space<hbm>>
      %dma_wait3A_474 = tpu.memref_slice %arg2[%add3A_472] : memref<16777216xf32, #tpu.memory_space<hbm>> -> memref<32768xf32, #tpu.memory_space<hbm>>
      tpu.wait_dma2 semaphore(%arg12 : memref<!tpu.dma_semaphore, #tpu.memory_space<semaphore_mem>>) src(%dma_wait3A_474 : memref<32768xf32, #tpu.memory_space<hbm>>) dst(%arg9 : memref<32768xf32, #tpu.memory_space<vmem>>)
      %add3A_475 = arith.constant 8388608 : i32
      %add3A_476 = arith.addi %add3A_475, %mul3A_2 : i32
      %add3A_477 = arith.constant 0 : i32
      %add3A_478 = arith.addi %add3A_476, %add3A_477 : i32
      %dma_start3A = tpu.memref_slice %arg4[%add3A_478] : memref<16777216xf32, #tpu.memory_space<hbm>> -> memref<32768xf32, #tpu.memory_space<hbm>>
      %dma_start3A_479 = tpu.memref_slice %arg4[%add3A_478] : memref<16777216xf32, #tpu.memory_space<hbm>> -> memref<32768xf32, #tpu.memory_space<hbm>>
      tpu.enqueue_dma source(%arg9 : memref<32768xf32, #tpu.memory_space<vmem>>) target(%dma_start3A_479 : memref<32768xf32, #tpu.memory_space<hbm>>) target_semaphore(%arg15 : memref<!tpu.dma_semaphore, #tpu.memory_space<semaphore_mem>>)
    } else {
    }
    %add3A_265 = arith.constant 8388608 : i32
    %add3A_266 = arith.addi %add3A_265, %mul3A_2 : i32
    %add3A_267 = arith.constant 0 : i32
    %add3A_268 = arith.addi %add3A_266, %add3A_267 : i32
    %eq3A_269 = arith.constant 0 : i32
    %eq3A_270 = arith.cmpi eq, %squeeze3A_259, %eq3A_269 : i32
    %convert_element_type3A_271 = arith.extui %eq3A_270 : i1 to i32
    %cond3A_272 = arith.constant 0 : i32
    %cond3A_273 = arith.cmpi ne, %convert_element_type3A_271, %cond3A_272 : i32
    scf.if %cond3A_273 {
      %dma_start3A = tpu.memref_slice %arg4[%add3A_268] : memref<16777216xf32, #tpu.memory_space<hbm>> -> memref<16384xf32, #tpu.memory_space<hbm>>
      %dma_start3A_469 = tpu.memref_slice %arg4[%add3A_268] : memref<16777216xf32, #tpu.memory_space<hbm>> -> memref<16384xf32, #tpu.memory_space<hbm>>
      tpu.enqueue_dma source(%arg6 : memref<16384xf32, #tpu.memory_space<vmem>>) target(%dma_start3A_469 : memref<16384xf32, #tpu.memory_space<hbm>>) target_semaphore(%arg15 : memref<!tpu.dma_semaphore, #tpu.memory_space<semaphore_mem>>)
      %add3A_470 = arith.constant 16384 : i32
      %add3A_471 = arith.addi %add3A_268, %add3A_470 : i32
      %dma_start3A_472 = tpu.memref_slice %arg4[%add3A_471] : memref<16777216xf32, #tpu.memory_space<hbm>> -> memref<16384xf32, #tpu.memory_space<hbm>>
      %dma_start3A_473 = tpu.memref_slice %arg4[%add3A_471] : memref<16777216xf32, #tpu.memory_space<hbm>> -> memref<16384xf32, #tpu.memory_space<hbm>>
      tpu.enqueue_dma source(%arg6 : memref<16384xf32, #tpu.memory_space<vmem>>) target(%dma_start3A_473 : memref<16384xf32, #tpu.memory_space<hbm>>) target_semaphore(%arg15 : memref<!tpu.dma_semaphore, #tpu.memory_space<semaphore_mem>>)
    } else {
    }
    %add3A_274 = arith.constant 10485760 : i32
    %add3A_275 = arith.addi %add3A_274, %mul3A_2 : i32
    %add3A_276 = arith.constant 32768 : i32
    %add3A_277 = arith.addi %add3A_275, %add3A_276 : i32
    %dma_wait3A_278 = tpu.memref_slice %arg4[%add3A_277] : memref<16777216xf32, #tpu.memory_space<hbm>> -> memref<32768xf32, #tpu.memory_space<hbm>>
    %dma_wait3A_279 = tpu.memref_slice %arg4[%add3A_277] : memref<16777216xf32, #tpu.memory_space<hbm>> -> memref<32768xf32, #tpu.memory_space<hbm>>
    tpu.wait_dma2 semaphore(%arg15 : memref<!tpu.dma_semaphore, #tpu.memory_space<semaphore_mem>>) src(%arg9 : memref<32768xf32, #tpu.memory_space<vmem>>) dst(%dma_wait3A_279 : memref<32768xf32, #tpu.memory_space<hbm>>)
    %slice3A_280 = vector.extract_strided_slice %get3A_4 {offsets = [5], sizes = [1], strides = [1]} : vector<16xi32> to vector<1xi32>
    %squeeze3A_281 = vector.extract %slice3A_280[0] : i32 from vector<1xi32>
    %ne3A_282 = arith.constant 0 : i32
    %ne3A_283 = arith.cmpi ne, %squeeze3A_281, %ne3A_282 : i32
    %convert_element_type3A_284 = arith.extui %ne3A_283 : i1 to i32
    %cond3A_285 = arith.constant 0 : i32
    %cond3A_286 = arith.cmpi ne, %convert_element_type3A_284, %cond3A_285 : i32
    scf.if %cond3A_286 {
      %add3A_469 = arith.constant 10485760 : i32
      %add3A_470 = arith.addi %add3A_469, %mul3A_2 : i32
      %add3A_471 = arith.constant 32768 : i32
      %add3A_472 = arith.addi %add3A_470, %add3A_471 : i32
      %dma_start3A = tpu.memref_slice %arg2[%add3A_472] : memref<16777216xf32, #tpu.memory_space<hbm>> -> memref<32768xf32, #tpu.memory_space<hbm>>
      %dma_start3A_473 = tpu.memref_slice %arg2[%add3A_472] : memref<16777216xf32, #tpu.memory_space<hbm>> -> memref<32768xf32, #tpu.memory_space<hbm>>
      tpu.enqueue_dma source(%dma_start3A_473 : memref<32768xf32, #tpu.memory_space<hbm>>) target(%arg9 : memref<32768xf32, #tpu.memory_space<vmem>>) target_semaphore(%arg12 : memref<!tpu.dma_semaphore, #tpu.memory_space<semaphore_mem>>)
    } else {
    }
    %slice3A_287 = vector.extract_strided_slice %get3A_4 {offsets = [4], sizes = [1], strides = [1]} : vector<16xi32> to vector<1xi32>
    %squeeze3A_288 = vector.extract %slice3A_287[0] : i32 from vector<1xi32>
    %ne3A_289 = arith.constant 0 : i32
    %ne3A_290 = arith.cmpi ne, %squeeze3A_288, %ne3A_289 : i32
    %convert_element_type3A_291 = arith.extui %ne3A_290 : i1 to i32
    %cond3A_292 = arith.constant 0 : i32
    %cond3A_293 = arith.cmpi ne, %convert_element_type3A_291, %cond3A_292 : i32
    scf.if %cond3A_293 {
      %add3A_469 = arith.constant 8388608 : i32
      %add3A_470 = arith.addi %add3A_469, %mul3A_2 : i32
      %add3A_471 = arith.constant 32768 : i32
      %add3A_472 = arith.addi %add3A_470, %add3A_471 : i32
      %dma_wait3A_473 = tpu.memref_slice %arg2[%add3A_472] : memref<16777216xf32, #tpu.memory_space<hbm>> -> memref<32768xf32, #tpu.memory_space<hbm>>
      %dma_wait3A_474 = tpu.memref_slice %arg2[%add3A_472] : memref<16777216xf32, #tpu.memory_space<hbm>> -> memref<32768xf32, #tpu.memory_space<hbm>>
      tpu.wait_dma2 semaphore(%arg10 : memref<!tpu.dma_semaphore, #tpu.memory_space<semaphore_mem>>) src(%dma_wait3A_474 : memref<32768xf32, #tpu.memory_space<hbm>>) dst(%arg7 : memref<32768xf32, #tpu.memory_space<vmem>>)
      %add3A_475 = arith.constant 8388608 : i32
      %add3A_476 = arith.addi %add3A_475, %mul3A_2 : i32
      %add3A_477 = arith.constant 32768 : i32
      %add3A_478 = arith.addi %add3A_476, %add3A_477 : i32
      %dma_start3A = tpu.memref_slice %arg4[%add3A_478] : memref<16777216xf32, #tpu.memory_space<hbm>> -> memref<32768xf32, #tpu.memory_space<hbm>>
      %dma_start3A_479 = tpu.memref_slice %arg4[%add3A_478] : memref<16777216xf32, #tpu.memory_space<hbm>> -> memref<32768xf32, #tpu.memory_space<hbm>>
      tpu.enqueue_dma source(%arg7 : memref<32768xf32, #tpu.memory_space<vmem>>) target(%dma_start3A_479 : memref<32768xf32, #tpu.memory_space<hbm>>) target_semaphore(%arg13 : memref<!tpu.dma_semaphore, #tpu.memory_space<semaphore_mem>>)
    } else {
    }
    %add3A_294 = arith.constant 8388608 : i32
    %add3A_295 = arith.addi %add3A_294, %mul3A_2 : i32
    %add3A_296 = arith.constant 32768 : i32
    %add3A_297 = arith.addi %add3A_295, %add3A_296 : i32
    %eq3A_298 = arith.constant 0 : i32
    %eq3A_299 = arith.cmpi eq, %squeeze3A_288, %eq3A_298 : i32
    %convert_element_type3A_300 = arith.extui %eq3A_299 : i1 to i32
    %cond3A_301 = arith.constant 0 : i32
    %cond3A_302 = arith.cmpi ne, %convert_element_type3A_300, %cond3A_301 : i32
    scf.if %cond3A_302 {
      %dma_start3A = tpu.memref_slice %arg4[%add3A_297] : memref<16777216xf32, #tpu.memory_space<hbm>> -> memref<16384xf32, #tpu.memory_space<hbm>>
      %dma_start3A_469 = tpu.memref_slice %arg4[%add3A_297] : memref<16777216xf32, #tpu.memory_space<hbm>> -> memref<16384xf32, #tpu.memory_space<hbm>>
      tpu.enqueue_dma source(%arg6 : memref<16384xf32, #tpu.memory_space<vmem>>) target(%dma_start3A_469 : memref<16384xf32, #tpu.memory_space<hbm>>) target_semaphore(%arg13 : memref<!tpu.dma_semaphore, #tpu.memory_space<semaphore_mem>>)
      %add3A_470 = arith.constant 16384 : i32
      %add3A_471 = arith.addi %add3A_297, %add3A_470 : i32
      %dma_start3A_472 = tpu.memref_slice %arg4[%add3A_471] : memref<16777216xf32, #tpu.memory_space<hbm>> -> memref<16384xf32, #tpu.memory_space<hbm>>
      %dma_start3A_473 = tpu.memref_slice %arg4[%add3A_471] : memref<16777216xf32, #tpu.memory_space<hbm>> -> memref<16384xf32, #tpu.memory_space<hbm>>
      tpu.enqueue_dma source(%arg6 : memref<16384xf32, #tpu.memory_space<vmem>>) target(%dma_start3A_473 : memref<16384xf32, #tpu.memory_space<hbm>>) target_semaphore(%arg13 : memref<!tpu.dma_semaphore, #tpu.memory_space<semaphore_mem>>)
    } else {
    }
    %add3A_303 = arith.constant 12582912 : i32
    %add3A_304 = arith.addi %add3A_303, %mul3A_2 : i32
    %add3A_305 = arith.constant 0 : i32
    %add3A_306 = arith.addi %add3A_304, %add3A_305 : i32
    %dma_wait3A_307 = tpu.memref_slice %arg4[%add3A_306] : memref<16777216xf32, #tpu.memory_space<hbm>> -> memref<32768xf32, #tpu.memory_space<hbm>>
    %dma_wait3A_308 = tpu.memref_slice %arg4[%add3A_306] : memref<16777216xf32, #tpu.memory_space<hbm>> -> memref<32768xf32, #tpu.memory_space<hbm>>
    tpu.wait_dma2 semaphore(%arg13 : memref<!tpu.dma_semaphore, #tpu.memory_space<semaphore_mem>>) src(%arg7 : memref<32768xf32, #tpu.memory_space<vmem>>) dst(%dma_wait3A_308 : memref<32768xf32, #tpu.memory_space<hbm>>)
    %slice3A_309 = vector.extract_strided_slice %get3A_4 {offsets = [6], sizes = [1], strides = [1]} : vector<16xi32> to vector<1xi32>
    %squeeze3A_310 = vector.extract %slice3A_309[0] : i32 from vector<1xi32>
    %ne3A_311 = arith.constant 0 : i32
    %ne3A_312 = arith.cmpi ne, %squeeze3A_310, %ne3A_311 : i32
    %convert_element_type3A_313 = arith.extui %ne3A_312 : i1 to i32
    %cond3A_314 = arith.constant 0 : i32
    %cond3A_315 = arith.cmpi ne, %convert_element_type3A_313, %cond3A_314 : i32
    scf.if %cond3A_315 {
      %add3A_469 = arith.constant 12582912 : i32
      %add3A_470 = arith.addi %add3A_469, %mul3A_2 : i32
      %add3A_471 = arith.constant 0 : i32
      %add3A_472 = arith.addi %add3A_470, %add3A_471 : i32
      %dma_start3A = tpu.memref_slice %arg2[%add3A_472] : memref<16777216xf32, #tpu.memory_space<hbm>> -> memref<32768xf32, #tpu.memory_space<hbm>>
      %dma_start3A_473 = tpu.memref_slice %arg2[%add3A_472] : memref<16777216xf32, #tpu.memory_space<hbm>> -> memref<32768xf32, #tpu.memory_space<hbm>>
      tpu.enqueue_dma source(%dma_start3A_473 : memref<32768xf32, #tpu.memory_space<hbm>>) target(%arg7 : memref<32768xf32, #tpu.memory_space<vmem>>) target_semaphore(%arg10 : memref<!tpu.dma_semaphore, #tpu.memory_space<semaphore_mem>>)
    } else {
    }
    %slice3A_316 = vector.extract_strided_slice %get3A_4 {offsets = [5], sizes = [1], strides = [1]} : vector<16xi32> to vector<1xi32>
    %squeeze3A_317 = vector.extract %slice3A_316[0] : i32 from vector<1xi32>
    %ne3A_318 = arith.constant 0 : i32
    %ne3A_319 = arith.cmpi ne, %squeeze3A_317, %ne3A_318 : i32
    %convert_element_type3A_320 = arith.extui %ne3A_319 : i1 to i32
    %cond3A_321 = arith.constant 0 : i32
    %cond3A_322 = arith.cmpi ne, %convert_element_type3A_320, %cond3A_321 : i32
    scf.if %cond3A_322 {
      %add3A_469 = arith.constant 10485760 : i32
      %add3A_470 = arith.addi %add3A_469, %mul3A_2 : i32
      %add3A_471 = arith.constant 0 : i32
      %add3A_472 = arith.addi %add3A_470, %add3A_471 : i32
      %dma_wait3A_473 = tpu.memref_slice %arg2[%add3A_472] : memref<16777216xf32, #tpu.memory_space<hbm>> -> memref<32768xf32, #tpu.memory_space<hbm>>
      %dma_wait3A_474 = tpu.memref_slice %arg2[%add3A_472] : memref<16777216xf32, #tpu.memory_space<hbm>> -> memref<32768xf32, #tpu.memory_space<hbm>>
      tpu.wait_dma2 semaphore(%arg11 : memref<!tpu.dma_semaphore, #tpu.memory_space<semaphore_mem>>) src(%dma_wait3A_474 : memref<32768xf32, #tpu.memory_space<hbm>>) dst(%arg8 : memref<32768xf32, #tpu.memory_space<vmem>>)
      %add3A_475 = arith.constant 10485760 : i32
      %add3A_476 = arith.addi %add3A_475, %mul3A_2 : i32
      %add3A_477 = arith.constant 0 : i32
      %add3A_478 = arith.addi %add3A_476, %add3A_477 : i32
      %dma_start3A = tpu.memref_slice %arg4[%add3A_478] : memref<16777216xf32, #tpu.memory_space<hbm>> -> memref<32768xf32, #tpu.memory_space<hbm>>
      %dma_start3A_479 = tpu.memref_slice %arg4[%add3A_478] : memref<16777216xf32, #tpu.memory_space<hbm>> -> memref<32768xf32, #tpu.memory_space<hbm>>
      tpu.enqueue_dma source(%arg8 : memref<32768xf32, #tpu.memory_space<vmem>>) target(%dma_start3A_479 : memref<32768xf32, #tpu.memory_space<hbm>>) target_semaphore(%arg14 : memref<!tpu.dma_semaphore, #tpu.memory_space<semaphore_mem>>)
    } else {
    }
    %add3A_323 = arith.constant 10485760 : i32
    %add3A_324 = arith.addi %add3A_323, %mul3A_2 : i32
    %add3A_325 = arith.constant 0 : i32
    %add3A_326 = arith.addi %add3A_324, %add3A_325 : i32
    %eq3A_327 = arith.constant 0 : i32
    %eq3A_328 = arith.cmpi eq, %squeeze3A_317, %eq3A_327 : i32
    %convert_element_type3A_329 = arith.extui %eq3A_328 : i1 to i32
    %cond3A_330 = arith.constant 0 : i32
    %cond3A_331 = arith.cmpi ne, %convert_element_type3A_329, %cond3A_330 : i32
    scf.if %cond3A_331 {
      %dma_start3A = tpu.memref_slice %arg4[%add3A_326] : memref<16777216xf32, #tpu.memory_space<hbm>> -> memref<16384xf32, #tpu.memory_space<hbm>>
      %dma_start3A_469 = tpu.memref_slice %arg4[%add3A_326] : memref<16777216xf32, #tpu.memory_space<hbm>> -> memref<16384xf32, #tpu.memory_space<hbm>>
      tpu.enqueue_dma source(%arg6 : memref<16384xf32, #tpu.memory_space<vmem>>) target(%dma_start3A_469 : memref<16384xf32, #tpu.memory_space<hbm>>) target_semaphore(%arg14 : memref<!tpu.dma_semaphore, #tpu.memory_space<semaphore_mem>>)
      %add3A_470 = arith.constant 16384 : i32
      %add3A_471 = arith.addi %add3A_326, %add3A_470 : i32
      %dma_start3A_472 = tpu.memref_slice %arg4[%add3A_471] : memref<16777216xf32, #tpu.memory_space<hbm>> -> memref<16384xf32, #tpu.memory_space<hbm>>
      %dma_start3A_473 = tpu.memref_slice %arg4[%add3A_471] : memref<16777216xf32, #tpu.memory_space<hbm>> -> memref<16384xf32, #tpu.memory_space<hbm>>
      tpu.enqueue_dma source(%arg6 : memref<16384xf32, #tpu.memory_space<vmem>>) target(%dma_start3A_473 : memref<16384xf32, #tpu.memory_space<hbm>>) target_semaphore(%arg14 : memref<!tpu.dma_semaphore, #tpu.memory_space<semaphore_mem>>)
    } else {
    }
    %add3A_332 = arith.constant 12582912 : i32
    %add3A_333 = arith.addi %add3A_332, %mul3A_2 : i32
    %add3A_334 = arith.constant 32768 : i32
    %add3A_335 = arith.addi %add3A_333, %add3A_334 : i32
    %dma_wait3A_336 = tpu.memref_slice %arg4[%add3A_335] : memref<16777216xf32, #tpu.memory_space<hbm>> -> memref<32768xf32, #tpu.memory_space<hbm>>
    %dma_wait3A_337 = tpu.memref_slice %arg4[%add3A_335] : memref<16777216xf32, #tpu.memory_space<hbm>> -> memref<32768xf32, #tpu.memory_space<hbm>>
    tpu.wait_dma2 semaphore(%arg14 : memref<!tpu.dma_semaphore, #tpu.memory_space<semaphore_mem>>) src(%arg8 : memref<32768xf32, #tpu.memory_space<vmem>>) dst(%dma_wait3A_337 : memref<32768xf32, #tpu.memory_space<hbm>>)
    %slice3A_338 = vector.extract_strided_slice %get3A_4 {offsets = [6], sizes = [1], strides = [1]} : vector<16xi32> to vector<1xi32>
    %squeeze3A_339 = vector.extract %slice3A_338[0] : i32 from vector<1xi32>
    %ne3A_340 = arith.constant 0 : i32
    %ne3A_341 = arith.cmpi ne, %squeeze3A_339, %ne3A_340 : i32
    %convert_element_type3A_342 = arith.extui %ne3A_341 : i1 to i32
    %cond3A_343 = arith.constant 0 : i32
    %cond3A_344 = arith.cmpi ne, %convert_element_type3A_342, %cond3A_343 : i32
    scf.if %cond3A_344 {
      %add3A_469 = arith.constant 12582912 : i32
      %add3A_470 = arith.addi %add3A_469, %mul3A_2 : i32
      %add3A_471 = arith.constant 32768 : i32
      %add3A_472 = arith.addi %add3A_470, %add3A_471 : i32
      %dma_start3A = tpu.memref_slice %arg2[%add3A_472] : memref<16777216xf32, #tpu.memory_space<hbm>> -> memref<32768xf32, #tpu.memory_space<hbm>>
      %dma_start3A_473 = tpu.memref_slice %arg2[%add3A_472] : memref<16777216xf32, #tpu.memory_space<hbm>> -> memref<32768xf32, #tpu.memory_space<hbm>>
      tpu.enqueue_dma source(%dma_start3A_473 : memref<32768xf32, #tpu.memory_space<hbm>>) target(%arg8 : memref<32768xf32, #tpu.memory_space<vmem>>) target_semaphore(%arg11 : memref<!tpu.dma_semaphore, #tpu.memory_space<semaphore_mem>>)
    } else {
    }
    %slice3A_345 = vector.extract_strided_slice %get3A_4 {offsets = [5], sizes = [1], strides = [1]} : vector<16xi32> to vector<1xi32>
    %squeeze3A_346 = vector.extract %slice3A_345[0] : i32 from vector<1xi32>
    %ne3A_347 = arith.constant 0 : i32
    %ne3A_348 = arith.cmpi ne, %squeeze3A_346, %ne3A_347 : i32
    %convert_element_type3A_349 = arith.extui %ne3A_348 : i1 to i32
    %cond3A_350 = arith.constant 0 : i32
    %cond3A_351 = arith.cmpi ne, %convert_element_type3A_349, %cond3A_350 : i32
    scf.if %cond3A_351 {
      %add3A_469 = arith.constant 10485760 : i32
      %add3A_470 = arith.addi %add3A_469, %mul3A_2 : i32
      %add3A_471 = arith.constant 32768 : i32
      %add3A_472 = arith.addi %add3A_470, %add3A_471 : i32
      %dma_wait3A_473 = tpu.memref_slice %arg2[%add3A_472] : memref<16777216xf32, #tpu.memory_space<hbm>> -> memref<32768xf32, #tpu.memory_space<hbm>>
      %dma_wait3A_474 = tpu.memref_slice %arg2[%add3A_472] : memref<16777216xf32, #tpu.memory_space<hbm>> -> memref<32768xf32, #tpu.memory_space<hbm>>
      tpu.wait_dma2 semaphore(%arg12 : memref<!tpu.dma_semaphore, #tpu.memory_space<semaphore_mem>>) src(%dma_wait3A_474 : memref<32768xf32, #tpu.memory_space<hbm>>) dst(%arg9 : memref<32768xf32, #tpu.memory_space<vmem>>)
      %add3A_475 = arith.constant 10485760 : i32
      %add3A_476 = arith.addi %add3A_475, %mul3A_2 : i32
      %add3A_477 = arith.constant 32768 : i32
      %add3A_478 = arith.addi %add3A_476, %add3A_477 : i32
      %dma_start3A = tpu.memref_slice %arg4[%add3A_478] : memref<16777216xf32, #tpu.memory_space<hbm>> -> memref<32768xf32, #tpu.memory_space<hbm>>
      %dma_start3A_479 = tpu.memref_slice %arg4[%add3A_478] : memref<16777216xf32, #tpu.memory_space<hbm>> -> memref<32768xf32, #tpu.memory_space<hbm>>
      tpu.enqueue_dma source(%arg9 : memref<32768xf32, #tpu.memory_space<vmem>>) target(%dma_start3A_479 : memref<32768xf32, #tpu.memory_space<hbm>>) target_semaphore(%arg15 : memref<!tpu.dma_semaphore, #tpu.memory_space<semaphore_mem>>)
    } else {
    }
    %add3A_352 = arith.constant 10485760 : i32
    %add3A_353 = arith.addi %add3A_352, %mul3A_2 : i32
    %add3A_354 = arith.constant 32768 : i32
    %add3A_355 = arith.addi %add3A_353, %add3A_354 : i32
    %eq3A_356 = arith.constant 0 : i32
    %eq3A_357 = arith.cmpi eq, %squeeze3A_346, %eq3A_356 : i32
    %convert_element_type3A_358 = arith.extui %eq3A_357 : i1 to i32
    %cond3A_359 = arith.constant 0 : i32
    %cond3A_360 = arith.cmpi ne, %convert_element_type3A_358, %cond3A_359 : i32
    scf.if %cond3A_360 {
      %dma_start3A = tpu.memref_slice %arg4[%add3A_355] : memref<16777216xf32, #tpu.memory_space<hbm>> -> memref<16384xf32, #tpu.memory_space<hbm>>
      %dma_start3A_469 = tpu.memref_slice %arg4[%add3A_355] : memref<16777216xf32, #tpu.memory_space<hbm>> -> memref<16384xf32, #tpu.memory_space<hbm>>
      tpu.enqueue_dma source(%arg6 : memref<16384xf32, #tpu.memory_space<vmem>>) target(%dma_start3A_469 : memref<16384xf32, #tpu.memory_space<hbm>>) target_semaphore(%arg15 : memref<!tpu.dma_semaphore, #tpu.memory_space<semaphore_mem>>)
      %add3A_470 = arith.constant 16384 : i32
      %add3A_471 = arith.addi %add3A_355, %add3A_470 : i32
      %dma_start3A_472 = tpu.memref_slice %arg4[%add3A_471] : memref<16777216xf32, #tpu.memory_space<hbm>> -> memref<16384xf32, #tpu.memory_space<hbm>>
      %dma_start3A_473 = tpu.memref_slice %arg4[%add3A_471] : memref<16777216xf32, #tpu.memory_space<hbm>> -> memref<16384xf32, #tpu.memory_space<hbm>>
      tpu.enqueue_dma source(%arg6 : memref<16384xf32, #tpu.memory_space<vmem>>) target(%dma_start3A_473 : memref<16384xf32, #tpu.memory_space<hbm>>) target_semaphore(%arg15 : memref<!tpu.dma_semaphore, #tpu.memory_space<semaphore_mem>>)
    } else {
    }
    %add3A_361 = arith.constant 14680064 : i32
    %add3A_362 = arith.addi %add3A_361, %mul3A_2 : i32
    %add3A_363 = arith.constant 0 : i32
    %add3A_364 = arith.addi %add3A_362, %add3A_363 : i32
    %dma_wait3A_365 = tpu.memref_slice %arg4[%add3A_364] : memref<16777216xf32, #tpu.memory_space<hbm>> -> memref<32768xf32, #tpu.memory_space<hbm>>
    %dma_wait3A_366 = tpu.memref_slice %arg4[%add3A_364] : memref<16777216xf32, #tpu.memory_space<hbm>> -> memref<32768xf32, #tpu.memory_space<hbm>>
    tpu.wait_dma2 semaphore(%arg15 : memref<!tpu.dma_semaphore, #tpu.memory_space<semaphore_mem>>) src(%arg9 : memref<32768xf32, #tpu.memory_space<vmem>>) dst(%dma_wait3A_366 : memref<32768xf32, #tpu.memory_space<hbm>>)
    %slice3A_367 = vector.extract_strided_slice %get3A_4 {offsets = [7], sizes = [1], strides = [1]} : vector<16xi32> to vector<1xi32>
    %squeeze3A_368 = vector.extract %slice3A_367[0] : i32 from vector<1xi32>
    %ne3A_369 = arith.constant 0 : i32
    %ne3A_370 = arith.cmpi ne, %squeeze3A_368, %ne3A_369 : i32
    %convert_element_type3A_371 = arith.extui %ne3A_370 : i1 to i32
    %cond3A_372 = arith.constant 0 : i32
    %cond3A_373 = arith.cmpi ne, %convert_element_type3A_371, %cond3A_372 : i32
    scf.if %cond3A_373 {
      %add3A_469 = arith.constant 14680064 : i32
      %add3A_470 = arith.addi %add3A_469, %mul3A_2 : i32
      %add3A_471 = arith.constant 0 : i32
      %add3A_472 = arith.addi %add3A_470, %add3A_471 : i32
      %dma_start3A = tpu.memref_slice %arg2[%add3A_472] : memref<16777216xf32, #tpu.memory_space<hbm>> -> memref<32768xf32, #tpu.memory_space<hbm>>
      %dma_start3A_473 = tpu.memref_slice %arg2[%add3A_472] : memref<16777216xf32, #tpu.memory_space<hbm>> -> memref<32768xf32, #tpu.memory_space<hbm>>
      tpu.enqueue_dma source(%dma_start3A_473 : memref<32768xf32, #tpu.memory_space<hbm>>) target(%arg9 : memref<32768xf32, #tpu.memory_space<vmem>>) target_semaphore(%arg12 : memref<!tpu.dma_semaphore, #tpu.memory_space<semaphore_mem>>)
    } else {
    }
    %slice3A_374 = vector.extract_strided_slice %get3A_4 {offsets = [6], sizes = [1], strides = [1]} : vector<16xi32> to vector<1xi32>
    %squeeze3A_375 = vector.extract %slice3A_374[0] : i32 from vector<1xi32>
    %ne3A_376 = arith.constant 0 : i32
    %ne3A_377 = arith.cmpi ne, %squeeze3A_375, %ne3A_376 : i32
    %convert_element_type3A_378 = arith.extui %ne3A_377 : i1 to i32
    %cond3A_379 = arith.constant 0 : i32
    %cond3A_380 = arith.cmpi ne, %convert_element_type3A_378, %cond3A_379 : i32
    scf.if %cond3A_380 {
      %add3A_469 = arith.constant 12582912 : i32
      %add3A_470 = arith.addi %add3A_469, %mul3A_2 : i32
      %add3A_471 = arith.constant 0 : i32
      %add3A_472 = arith.addi %add3A_470, %add3A_471 : i32
      %dma_wait3A_473 = tpu.memref_slice %arg2[%add3A_472] : memref<16777216xf32, #tpu.memory_space<hbm>> -> memref<32768xf32, #tpu.memory_space<hbm>>
      %dma_wait3A_474 = tpu.memref_slice %arg2[%add3A_472] : memref<16777216xf32, #tpu.memory_space<hbm>> -> memref<32768xf32, #tpu.memory_space<hbm>>
      tpu.wait_dma2 semaphore(%arg10 : memref<!tpu.dma_semaphore, #tpu.memory_space<semaphore_mem>>) src(%dma_wait3A_474 : memref<32768xf32, #tpu.memory_space<hbm>>) dst(%arg7 : memref<32768xf32, #tpu.memory_space<vmem>>)
      %add3A_475 = arith.constant 12582912 : i32
      %add3A_476 = arith.addi %add3A_475, %mul3A_2 : i32
      %add3A_477 = arith.constant 0 : i32
      %add3A_478 = arith.addi %add3A_476, %add3A_477 : i32
      %dma_start3A = tpu.memref_slice %arg4[%add3A_478] : memref<16777216xf32, #tpu.memory_space<hbm>> -> memref<32768xf32, #tpu.memory_space<hbm>>
      %dma_start3A_479 = tpu.memref_slice %arg4[%add3A_478] : memref<16777216xf32, #tpu.memory_space<hbm>> -> memref<32768xf32, #tpu.memory_space<hbm>>
      tpu.enqueue_dma source(%arg7 : memref<32768xf32, #tpu.memory_space<vmem>>) target(%dma_start3A_479 : memref<32768xf32, #tpu.memory_space<hbm>>) target_semaphore(%arg13 : memref<!tpu.dma_semaphore, #tpu.memory_space<semaphore_mem>>)
    } else {
    }
    %add3A_381 = arith.constant 12582912 : i32
    %add3A_382 = arith.addi %add3A_381, %mul3A_2 : i32
    %add3A_383 = arith.constant 0 : i32
    %add3A_384 = arith.addi %add3A_382, %add3A_383 : i32
    %eq3A_385 = arith.constant 0 : i32
    %eq3A_386 = arith.cmpi eq, %squeeze3A_375, %eq3A_385 : i32
    %convert_element_type3A_387 = arith.extui %eq3A_386 : i1 to i32
    %cond3A_388 = arith.constant 0 : i32
    %cond3A_389 = arith.cmpi ne, %convert_element_type3A_387, %cond3A_388 : i32
    scf.if %cond3A_389 {
      %dma_start3A = tpu.memref_slice %arg4[%add3A_384] : memref<16777216xf32, #tpu.memory_space<hbm>> -> memref<16384xf32, #tpu.memory_space<hbm>>
      %dma_start3A_469 = tpu.memref_slice %arg4[%add3A_384] : memref<16777216xf32, #tpu.memory_space<hbm>> -> memref<16384xf32, #tpu.memory_space<hbm>>
      tpu.enqueue_dma source(%arg6 : memref<16384xf32, #tpu.memory_space<vmem>>) target(%dma_start3A_469 : memref<16384xf32, #tpu.memory_space<hbm>>) target_semaphore(%arg13 : memref<!tpu.dma_semaphore, #tpu.memory_space<semaphore_mem>>)
      %add3A_470 = arith.constant 16384 : i32
      %add3A_471 = arith.addi %add3A_384, %add3A_470 : i32
      %dma_start3A_472 = tpu.memref_slice %arg4[%add3A_471] : memref<16777216xf32, #tpu.memory_space<hbm>> -> memref<16384xf32, #tpu.memory_space<hbm>>
      %dma_start3A_473 = tpu.memref_slice %arg4[%add3A_471] : memref<16777216xf32, #tpu.memory_space<hbm>> -> memref<16384xf32, #tpu.memory_space<hbm>>
      tpu.enqueue_dma source(%arg6 : memref<16384xf32, #tpu.memory_space<vmem>>) target(%dma_start3A_473 : memref<16384xf32, #tpu.memory_space<hbm>>) target_semaphore(%arg13 : memref<!tpu.dma_semaphore, #tpu.memory_space<semaphore_mem>>)
    } else {
    }
    %add3A_390 = arith.constant 14680064 : i32
    %add3A_391 = arith.addi %add3A_390, %mul3A_2 : i32
    %add3A_392 = arith.constant 32768 : i32
    %add3A_393 = arith.addi %add3A_391, %add3A_392 : i32
    %dma_wait3A_394 = tpu.memref_slice %arg4[%add3A_393] : memref<16777216xf32, #tpu.memory_space<hbm>> -> memref<32768xf32, #tpu.memory_space<hbm>>
    %dma_wait3A_395 = tpu.memref_slice %arg4[%add3A_393] : memref<16777216xf32, #tpu.memory_space<hbm>> -> memref<32768xf32, #tpu.memory_space<hbm>>
    tpu.wait_dma2 semaphore(%arg13 : memref<!tpu.dma_semaphore, #tpu.memory_space<semaphore_mem>>) src(%arg7 : memref<32768xf32, #tpu.memory_space<vmem>>) dst(%dma_wait3A_395 : memref<32768xf32, #tpu.memory_space<hbm>>)
    %slice3A_396 = vector.extract_strided_slice %get3A_4 {offsets = [7], sizes = [1], strides = [1]} : vector<16xi32> to vector<1xi32>
    %squeeze3A_397 = vector.extract %slice3A_396[0] : i32 from vector<1xi32>
    %ne3A_398 = arith.constant 0 : i32
    %ne3A_399 = arith.cmpi ne, %squeeze3A_397, %ne3A_398 : i32
    %convert_element_type3A_400 = arith.extui %ne3A_399 : i1 to i32
    %cond3A_401 = arith.constant 0 : i32
    %cond3A_402 = arith.cmpi ne, %convert_element_type3A_400, %cond3A_401 : i32
    scf.if %cond3A_402 {
      %add3A_469 = arith.constant 14680064 : i32
      %add3A_470 = arith.addi %add3A_469, %mul3A_2 : i32
      %add3A_471 = arith.constant 32768 : i32
      %add3A_472 = arith.addi %add3A_470, %add3A_471 : i32
      %dma_start3A = tpu.memref_slice %arg2[%add3A_472] : memref<16777216xf32, #tpu.memory_space<hbm>> -> memref<32768xf32, #tpu.memory_space<hbm>>
      %dma_start3A_473 = tpu.memref_slice %arg2[%add3A_472] : memref<16777216xf32, #tpu.memory_space<hbm>> -> memref<32768xf32, #tpu.memory_space<hbm>>
      tpu.enqueue_dma source(%dma_start3A_473 : memref<32768xf32, #tpu.memory_space<hbm>>) target(%arg7 : memref<32768xf32, #tpu.memory_space<vmem>>) target_semaphore(%arg10 : memref<!tpu.dma_semaphore, #tpu.memory_space<semaphore_mem>>)
    } else {
    }
    %slice3A_403 = vector.extract_strided_slice %get3A_4 {offsets = [6], sizes = [1], strides = [1]} : vector<16xi32> to vector<1xi32>
    %squeeze3A_404 = vector.extract %slice3A_403[0] : i32 from vector<1xi32>
    %ne3A_405 = arith.constant 0 : i32
    %ne3A_406 = arith.cmpi ne, %squeeze3A_404, %ne3A_405 : i32
    %convert_element_type3A_407 = arith.extui %ne3A_406 : i1 to i32
    %cond3A_408 = arith.constant 0 : i32
    %cond3A_409 = arith.cmpi ne, %convert_element_type3A_407, %cond3A_408 : i32
    scf.if %cond3A_409 {
      %add3A_469 = arith.constant 12582912 : i32
      %add3A_470 = arith.addi %add3A_469, %mul3A_2 : i32
      %add3A_471 = arith.constant 32768 : i32
      %add3A_472 = arith.addi %add3A_470, %add3A_471 : i32
      %dma_wait3A_473 = tpu.memref_slice %arg2[%add3A_472] : memref<16777216xf32, #tpu.memory_space<hbm>> -> memref<32768xf32, #tpu.memory_space<hbm>>
      %dma_wait3A_474 = tpu.memref_slice %arg2[%add3A_472] : memref<16777216xf32, #tpu.memory_space<hbm>> -> memref<32768xf32, #tpu.memory_space<hbm>>
      tpu.wait_dma2 semaphore(%arg11 : memref<!tpu.dma_semaphore, #tpu.memory_space<semaphore_mem>>) src(%dma_wait3A_474 : memref<32768xf32, #tpu.memory_space<hbm>>) dst(%arg8 : memref<32768xf32, #tpu.memory_space<vmem>>)
      %add3A_475 = arith.constant 12582912 : i32
      %add3A_476 = arith.addi %add3A_475, %mul3A_2 : i32
      %add3A_477 = arith.constant 32768 : i32
      %add3A_478 = arith.addi %add3A_476, %add3A_477 : i32
      %dma_start3A = tpu.memref_slice %arg4[%add3A_478] : memref<16777216xf32, #tpu.memory_space<hbm>> -> memref<32768xf32, #tpu.memory_space<hbm>>
      %dma_start3A_479 = tpu.memref_slice %arg4[%add3A_478] : memref<16777216xf32, #tpu.memory_space<hbm>> -> memref<32768xf32, #tpu.memory_space<hbm>>
      tpu.enqueue_dma source(%arg8 : memref<32768xf32, #tpu.memory_space<vmem>>) target(%dma_start3A_479 : memref<32768xf32, #tpu.memory_space<hbm>>) target_semaphore(%arg14 : memref<!tpu.dma_semaphore, #tpu.memory_space<semaphore_mem>>)
    } else {
    }
    %add3A_410 = arith.constant 12582912 : i32
    %add3A_411 = arith.addi %add3A_410, %mul3A_2 : i32
    %add3A_412 = arith.constant 32768 : i32
    %add3A_413 = arith.addi %add3A_411, %add3A_412 : i32
    %eq3A_414 = arith.constant 0 : i32
    %eq3A_415 = arith.cmpi eq, %squeeze3A_404, %eq3A_414 : i32
    %convert_element_type3A_416 = arith.extui %eq3A_415 : i1 to i32
    %cond3A_417 = arith.constant 0 : i32
    %cond3A_418 = arith.cmpi ne, %convert_element_type3A_416, %cond3A_417 : i32
    scf.if %cond3A_418 {
      %dma_start3A = tpu.memref_slice %arg4[%add3A_413] : memref<16777216xf32, #tpu.memory_space<hbm>> -> memref<16384xf32, #tpu.memory_space<hbm>>
      %dma_start3A_469 = tpu.memref_slice %arg4[%add3A_413] : memref<16777216xf32, #tpu.memory_space<hbm>> -> memref<16384xf32, #tpu.memory_space<hbm>>
      tpu.enqueue_dma source(%arg6 : memref<16384xf32, #tpu.memory_space<vmem>>) target(%dma_start3A_469 : memref<16384xf32, #tpu.memory_space<hbm>>) target_semaphore(%arg14 : memref<!tpu.dma_semaphore, #tpu.memory_space<semaphore_mem>>)
      %add3A_470 = arith.constant 16384 : i32
      %add3A_471 = arith.addi %add3A_413, %add3A_470 : i32
      %dma_start3A_472 = tpu.memref_slice %arg4[%add3A_471] : memref<16777216xf32, #tpu.memory_space<hbm>> -> memref<16384xf32, #tpu.memory_space<hbm>>
      %dma_start3A_473 = tpu.memref_slice %arg4[%add3A_471] : memref<16777216xf32, #tpu.memory_space<hbm>> -> memref<16384xf32, #tpu.memory_space<hbm>>
      tpu.enqueue_dma source(%arg6 : memref<16384xf32, #tpu.memory_space<vmem>>) target(%dma_start3A_473 : memref<16384xf32, #tpu.memory_space<hbm>>) target_semaphore(%arg14 : memref<!tpu.dma_semaphore, #tpu.memory_space<semaphore_mem>>)
    } else {
    }
    %slice3A_419 = vector.extract_strided_slice %get3A_4 {offsets = [7], sizes = [1], strides = [1]} : vector<16xi32> to vector<1xi32>
    %squeeze3A_420 = vector.extract %slice3A_419[0] : i32 from vector<1xi32>
    %ne3A_421 = arith.constant 0 : i32
    %ne3A_422 = arith.cmpi ne, %squeeze3A_420, %ne3A_421 : i32
    %convert_element_type3A_423 = arith.extui %ne3A_422 : i1 to i32
    %cond3A_424 = arith.constant 0 : i32
    %cond3A_425 = arith.cmpi ne, %convert_element_type3A_423, %cond3A_424 : i32
    scf.if %cond3A_425 {
      %add3A_469 = arith.constant 14680064 : i32
      %add3A_470 = arith.addi %add3A_469, %mul3A_2 : i32
      %add3A_471 = arith.constant 0 : i32
      %add3A_472 = arith.addi %add3A_470, %add3A_471 : i32
      %dma_wait3A_473 = tpu.memref_slice %arg2[%add3A_472] : memref<16777216xf32, #tpu.memory_space<hbm>> -> memref<32768xf32, #tpu.memory_space<hbm>>
      %dma_wait3A_474 = tpu.memref_slice %arg2[%add3A_472] : memref<16777216xf32, #tpu.memory_space<hbm>> -> memref<32768xf32, #tpu.memory_space<hbm>>
      tpu.wait_dma2 semaphore(%arg12 : memref<!tpu.dma_semaphore, #tpu.memory_space<semaphore_mem>>) src(%dma_wait3A_474 : memref<32768xf32, #tpu.memory_space<hbm>>) dst(%arg9 : memref<32768xf32, #tpu.memory_space<vmem>>)
      %add3A_475 = arith.constant 14680064 : i32
      %add3A_476 = arith.addi %add3A_475, %mul3A_2 : i32
      %add3A_477 = arith.constant 0 : i32
      %add3A_478 = arith.addi %add3A_476, %add3A_477 : i32
      %dma_start3A = tpu.memref_slice %arg4[%add3A_478] : memref<16777216xf32, #tpu.memory_space<hbm>> -> memref<32768xf32, #tpu.memory_space<hbm>>
      %dma_start3A_479 = tpu.memref_slice %arg4[%add3A_478] : memref<16777216xf32, #tpu.memory_space<hbm>> -> memref<32768xf32, #tpu.memory_space<hbm>>
      tpu.enqueue_dma source(%arg9 : memref<32768xf32, #tpu.memory_space<vmem>>) target(%dma_start3A_479 : memref<32768xf32, #tpu.memory_space<hbm>>) target_semaphore(%arg15 : memref<!tpu.dma_semaphore, #tpu.memory_space<semaphore_mem>>)
    } else {
    }
    %add3A_426 = arith.constant 14680064 : i32
    %add3A_427 = arith.addi %add3A_426, %mul3A_2 : i32
    %add3A_428 = arith.constant 0 : i32
    %add3A_429 = arith.addi %add3A_427, %add3A_428 : i32
    %eq3A_430 = arith.constant 0 : i32
    %eq3A_431 = arith.cmpi eq, %squeeze3A_420, %eq3A_430 : i32
    %convert_element_type3A_432 = arith.extui %eq3A_431 : i1 to i32
    %cond3A_433 = arith.constant 0 : i32
    %cond3A_434 = arith.cmpi ne, %convert_element_type3A_432, %cond3A_433 : i32
    scf.if %cond3A_434 {
      %dma_start3A = tpu.memref_slice %arg4[%add3A_429] : memref<16777216xf32, #tpu.memory_space<hbm>> -> memref<16384xf32, #tpu.memory_space<hbm>>
      %dma_start3A_469 = tpu.memref_slice %arg4[%add3A_429] : memref<16777216xf32, #tpu.memory_space<hbm>> -> memref<16384xf32, #tpu.memory_space<hbm>>
      tpu.enqueue_dma source(%arg6 : memref<16384xf32, #tpu.memory_space<vmem>>) target(%dma_start3A_469 : memref<16384xf32, #tpu.memory_space<hbm>>) target_semaphore(%arg15 : memref<!tpu.dma_semaphore, #tpu.memory_space<semaphore_mem>>)
      %add3A_470 = arith.constant 16384 : i32
      %add3A_471 = arith.addi %add3A_429, %add3A_470 : i32
      %dma_start3A_472 = tpu.memref_slice %arg4[%add3A_471] : memref<16777216xf32, #tpu.memory_space<hbm>> -> memref<16384xf32, #tpu.memory_space<hbm>>
      %dma_start3A_473 = tpu.memref_slice %arg4[%add3A_471] : memref<16777216xf32, #tpu.memory_space<hbm>> -> memref<16384xf32, #tpu.memory_space<hbm>>
      tpu.enqueue_dma source(%arg6 : memref<16384xf32, #tpu.memory_space<vmem>>) target(%dma_start3A_473 : memref<16384xf32, #tpu.memory_space<hbm>>) target_semaphore(%arg15 : memref<!tpu.dma_semaphore, #tpu.memory_space<semaphore_mem>>)
    } else {
    }
    %slice3A_435 = vector.extract_strided_slice %get3A_4 {offsets = [7], sizes = [1], strides = [1]} : vector<16xi32> to vector<1xi32>
    %squeeze3A_436 = vector.extract %slice3A_435[0] : i32 from vector<1xi32>
    %ne3A_437 = arith.constant 0 : i32
    %ne3A_438 = arith.cmpi ne, %squeeze3A_436, %ne3A_437 : i32
    %convert_element_type3A_439 = arith.extui %ne3A_438 : i1 to i32
    %cond3A_440 = arith.constant 0 : i32
    %cond3A_441 = arith.cmpi ne, %convert_element_type3A_439, %cond3A_440 : i32
    scf.if %cond3A_441 {
      %add3A_469 = arith.constant 14680064 : i32
      %add3A_470 = arith.addi %add3A_469, %mul3A_2 : i32
      %add3A_471 = arith.constant 32768 : i32
      %add3A_472 = arith.addi %add3A_470, %add3A_471 : i32
      %dma_wait3A_473 = tpu.memref_slice %arg2[%add3A_472] : memref<16777216xf32, #tpu.memory_space<hbm>> -> memref<32768xf32, #tpu.memory_space<hbm>>
      %dma_wait3A_474 = tpu.memref_slice %arg2[%add3A_472] : memref<16777216xf32, #tpu.memory_space<hbm>> -> memref<32768xf32, #tpu.memory_space<hbm>>
      tpu.wait_dma2 semaphore(%arg10 : memref<!tpu.dma_semaphore, #tpu.memory_space<semaphore_mem>>) src(%dma_wait3A_474 : memref<32768xf32, #tpu.memory_space<hbm>>) dst(%arg7 : memref<32768xf32, #tpu.memory_space<vmem>>)
      %add3A_475 = arith.constant 14680064 : i32
      %add3A_476 = arith.addi %add3A_475, %mul3A_2 : i32
      %add3A_477 = arith.constant 32768 : i32
      %add3A_478 = arith.addi %add3A_476, %add3A_477 : i32
      %dma_start3A = tpu.memref_slice %arg4[%add3A_478] : memref<16777216xf32, #tpu.memory_space<hbm>> -> memref<32768xf32, #tpu.memory_space<hbm>>
      %dma_start3A_479 = tpu.memref_slice %arg4[%add3A_478] : memref<16777216xf32, #tpu.memory_space<hbm>> -> memref<32768xf32, #tpu.memory_space<hbm>>
      tpu.enqueue_dma source(%arg7 : memref<32768xf32, #tpu.memory_space<vmem>>) target(%dma_start3A_479 : memref<32768xf32, #tpu.memory_space<hbm>>) target_semaphore(%arg13 : memref<!tpu.dma_semaphore, #tpu.memory_space<semaphore_mem>>)
    } else {
    }
    %add3A_442 = arith.constant 14680064 : i32
    %add3A_443 = arith.addi %add3A_442, %mul3A_2 : i32
    %add3A_444 = arith.constant 32768 : i32
    %add3A_445 = arith.addi %add3A_443, %add3A_444 : i32
    %eq3A_446 = arith.constant 0 : i32
    %eq3A_447 = arith.cmpi eq, %squeeze3A_436, %eq3A_446 : i32
    %convert_element_type3A_448 = arith.extui %eq3A_447 : i1 to i32
    %cond3A_449 = arith.constant 0 : i32
    %cond3A_450 = arith.cmpi ne, %convert_element_type3A_448, %cond3A_449 : i32
    scf.if %cond3A_450 {
      %dma_start3A = tpu.memref_slice %arg4[%add3A_445] : memref<16777216xf32, #tpu.memory_space<hbm>> -> memref<16384xf32, #tpu.memory_space<hbm>>
      %dma_start3A_469 = tpu.memref_slice %arg4[%add3A_445] : memref<16777216xf32, #tpu.memory_space<hbm>> -> memref<16384xf32, #tpu.memory_space<hbm>>
      tpu.enqueue_dma source(%arg6 : memref<16384xf32, #tpu.memory_space<vmem>>) target(%dma_start3A_469 : memref<16384xf32, #tpu.memory_space<hbm>>) target_semaphore(%arg13 : memref<!tpu.dma_semaphore, #tpu.memory_space<semaphore_mem>>)
      %add3A_470 = arith.constant 16384 : i32
      %add3A_471 = arith.addi %add3A_445, %add3A_470 : i32
      %dma_start3A_472 = tpu.memref_slice %arg4[%add3A_471] : memref<16777216xf32, #tpu.memory_space<hbm>> -> memref<16384xf32, #tpu.memory_space<hbm>>
      %dma_start3A_473 = tpu.memref_slice %arg4[%add3A_471] : memref<16777216xf32, #tpu.memory_space<hbm>> -> memref<16384xf32, #tpu.memory_space<hbm>>
      tpu.enqueue_dma source(%arg6 : memref<16384xf32, #tpu.memory_space<vmem>>) target(%dma_start3A_473 : memref<16384xf32, #tpu.memory_space<hbm>>) target_semaphore(%arg13 : memref<!tpu.dma_semaphore, #tpu.memory_space<semaphore_mem>>)
    } else {
    }
    %add3A_451 = arith.constant 12582912 : i32
    %add3A_452 = arith.addi %add3A_451, %mul3A_2 : i32
    %add3A_453 = arith.constant 32768 : i32
    %add3A_454 = arith.addi %add3A_452, %add3A_453 : i32
    %dma_wait3A_455 = tpu.memref_slice %arg4[%add3A_454] : memref<16777216xf32, #tpu.memory_space<hbm>> -> memref<32768xf32, #tpu.memory_space<hbm>>
    %dma_wait3A_456 = tpu.memref_slice %arg4[%add3A_454] : memref<16777216xf32, #tpu.memory_space<hbm>> -> memref<32768xf32, #tpu.memory_space<hbm>>
    tpu.wait_dma2 semaphore(%arg14 : memref<!tpu.dma_semaphore, #tpu.memory_space<semaphore_mem>>) src(%arg8 : memref<32768xf32, #tpu.memory_space<vmem>>) dst(%dma_wait3A_456 : memref<32768xf32, #tpu.memory_space<hbm>>)
    %add3A_457 = arith.constant 14680064 : i32
    %add3A_458 = arith.addi %add3A_457, %mul3A_2 : i32
    %add3A_459 = arith.constant 0 : i32
    %add3A_460 = arith.addi %add3A_458, %add3A_459 : i32
    %dma_wait3A_461 = tpu.memref_slice %arg4[%add3A_460] : memref<16777216xf32, #tpu.memory_space<hbm>> -> memref<32768xf32, #tpu.memory_space<hbm>>
    %dma_wait3A_462 = tpu.memref_slice %arg4[%add3A_460] : memref<16777216xf32, #tpu.memory_space<hbm>> -> memref<32768xf32, #tpu.memory_space<hbm>>
    tpu.wait_dma2 semaphore(%arg15 : memref<!tpu.dma_semaphore, #tpu.memory_space<semaphore_mem>>) src(%arg9 : memref<32768xf32, #tpu.memory_space<vmem>>) dst(%dma_wait3A_462 : memref<32768xf32, #tpu.memory_space<hbm>>)
    %add3A_463 = arith.constant 14680064 : i32
    %add3A_464 = arith.addi %add3A_463, %mul3A_2 : i32
    %add3A_465 = arith.constant 32768 : i32
    %add3A_466 = arith.addi %add3A_464, %add3A_465 : i32
    %dma_wait3A_467 = tpu.memref_slice %arg4[%add3A_466] : memref<16777216xf32, #tpu.memory_space<hbm>> -> memref<32768xf32, #tpu.memory_space<hbm>>
    %dma_wait3A_468 = tpu.memref_slice %arg4[%add3A_466] : memref<16777216xf32, #tpu.memory_space<hbm>> -> memref<32768xf32, #tpu.memory_space<hbm>>
    tpu.wait_dma2 semaphore(%arg13 : memref<!tpu.dma_semaphore, #tpu.memory_space<semaphore_mem>>) src(%arg7 : memref<32768xf32, #tpu.memory_space<vmem>>) dst(%dma_wait3A_468 : memref<32768xf32, #tpu.memory_space<hbm>>)
    return
  }
}

</mosaic_0001>

<sc_bundles>
// kernel: kernel.3.cloned.1.call-start
scs
__scs_entry_jumppad:
0x0: {  	(pc) =	sbr.rel $0x88, $3  }
0x1: {  	(tag) =	ssettag $0x0;
	lr =	simm.s32 $0x1  }
0x2: {  	[smem:$0x3F9F] =	sst lr;
	_ =	strace $0xD0000000  }
0x3: {  	_ = 	snop  }
0x4: {  	_ = 	snop  }
0x5: {  	_ = 	snop  }
0x6: {  	_ = 	snop  }
0x7: {  	_ = 	snop  }
__scs_overlays_trampoline_lowered:
0x8: {  	[smem:$0x3FAE] =	sst s0  }
0x9: {  	[smem:$0x3FAF] =	sst s1  }
0xa: {  	[smem:$0x3FB0] =	sst s2  }
0xb: {  	[smem:$0x3FB1] =	sst s3  }
0xc: {  	[smem:$0x3FB2] =	sst s4  }
0xd: {  	[smem:$0x3FB3] =	sst s5  }
0xe: {  	[smem:$0x3FB4] =	sst s6  }
0xf: {  	[smem:$0x3FB5] =	sst s7  }
0x10: {  	[smem:$0x3FB6] =	sst s8  }
0x11: {  	[smem:$0x3FB7] =	sst s9;
	s0 =	simm.s32 @!p0 $0x0  }
0x12: {  	s1 =	sld [smem:$0x3F9D];
	s0 =	simm.s32 @p0 $0x1  }
0x13: {  	[smem:$0x3FB8] =	sst s0;
	s0 =	simm.s32 @!p1 $0x0  }
0x14: {  	s2 =	sld [smem:$0x3F9C];
	s0 =	simm.s32 @p1 $0x1  }
0x15: {  	[smem:$0x3FB9] =	sst s0;
	s0 =	simm.s32 @!p2 $0x0  }
0x16: {  	s3 =	sld [smem:$0x3FDB];
	s0 =	simm.s32 @p2 $0x1  }
0x17: {  	s4 =	simm.s32 $0x1BF5;
	[smem:$0x3FBB] =	sst s0  }
0x18: {  	s0 =	sld [smem:$0x3F9E];
	_ =	swait.ge [sflag:s4], $0x0  }
0x19: {  	s7 =	sld [smem:$0x3F9F]  }
0x1a: {  	s8 =	sadd.s32 $0xFFFFE003, lr  }
0x1b: {  	s9 =	sadd.s32 $0xFFFFFEF7, lr;
	s5 =	simm.s32 $0xFFFFFFFF;
	p2 =	slt.u32 s8, $0xFFFFF086  }
0x1c: {  	p1 =	slt.u32 s9, $0xF7A;
	s5 =	simm.s32 @!p2 $0x0  }
0x1d: {  	s5 =	simm.s32 @p1 $0x1;
	p0 =	seq.s32 s7, s2  }
0x1e: {  	s7 =	smul.u32 @!p0 $0xF7A, s2;
	p2 =	seq.s32 @!p0 s5, $0x0  }
0x1f: {  	s9 =	smul.u32 $0xF7A, s1;
	s8 =	simm.s32 @!p0 $0x1BF5;
	p2 =	por !p2, p0  }
0x20: {  	[sflag:s8] =	ssyncset.s32 @!p0 $0xFFFFF086;
	s6 =	sadd.s32 @!p0 s3, s7;
	s7 =	simm.s32 @!p0 $0x108  }
0x21: {  	s3 =	sadd.s32 s3, s9;
	s6 =	sadd.s32 @!p0 $0x88, s6;
	s7 =	simm.s32 @p2 $0x1082  }
0x22: {  	[simem:s7], [sflag:s8] =	dma.local @!p0 [hbm:s6], $0xF7A  }
0x23: {  	s9 =	sor.u32 $0xD0000000, s2;
	s6 =	simm.s32 $0x108;
	_ =	swait.ge @!p0 [sflag:s8], $0x0  }
0x24: {  	s3 =	sadd.s32 $0x88, s3;
	s6 =	simm.s32 @!p1 $0x1082;
	[sflag:s4] =	ssyncset.s32 $0xFFFFF086  }
0x25: {  	[simem:s6], [sflag:s4] =	dma.local [hbm:s3], $0xF7A  }
0x26: {  	[smem:$0x3F9F] =	sst s1;
	(tag) =	ssettag s2;
	_ =	strace s9  }
0x27: {  	s1 =	sld [smem:$0x3FAF]  }
0x28: {  	s2 =	sld [smem:$0x3FB0]  }
0x29: {  	s4 =	sld [smem:$0x3FB2]  }
0x2a: {  	p0 =	seq.s32 s5, $0x0;
	s5 =	sld [smem:$0x3FB3]  }
0x2b: {  	s6 =	sld [smem:$0x3FB4]  }
0x2c: {  	s7 =	sld [smem:$0x3FB5]  }
0x2d: {  	s3 =	simm.s32 $0x108;
	s8 =	sld [smem:$0x3FB6]  }
0x2e: {  	s3 =	simm.s32 @!p0 $0x1082;
	s9 =	sld [smem:$0x3FB7]  }
0x2f: {  	lr =	sadd.s32 s0, s3;
	s0 =	sld [smem:$0x3FAE]  }
0x30: {  	s3 =	sld [smem:$0x3FB1]  }
0x31: {  	[smem:$0x3FBA] =	sst s10  }
0x32: {  	s10 =	sld [smem:$0x3FB8];
	_ =	sdelay $0x3  }
0x33: {  	p0 =	seq.s32 s10, $0x1;
	s10 =	sld [smem:$0x3FBA];
	_ =	sdelay $0x3  }
0x34: {  	[smem:$0x3FBA] =	sst s10  }
0x35: {  	s10 =	sld [smem:$0x3FB9];
	_ =	sdelay $0x3  }
0x36: {  	p1 =	seq.s32 s10, $0x1;
	s10 =	sld [smem:$0x3FBA];
	_ =	sdelay $0x3  }
0x37: {  	[smem:$0x3FBA] =	sst s10  }
0x38: {  	s10 =	sld [smem:$0x3FBB]  }
0x39: {  	_ = 	snop;
	(pc) =	sbr.ind lr, $3  }
0x3a: {  	_ = 	snop  }
0x3b: {  	_ = 	snop  }
0x3c: {  	p2 =	seq.s32 s10, $0x1;
	s10 =	sld [smem:$0x3FBA]  }
0x3d: {  	_ =	shalt  }
0x3e: {  	_ =	shalt  }
0x3f: {  	_ =	shalt  }
0x40: {  	_ =	shalt  }
0x41: {  	_ =	shalt  }
0x42: {  	_ =	shalt  }
0x43: {  	_ =	shalt  }
0x44: {  	_ =	shalt  }
0x45: {  	_ =	shalt  }
0x46: {  	_ =	shalt  }
0x47: {  	_ =	shalt  }
0x48: {  	_ =	shalt  }
0x49: {  	_ =	shalt  }
0x4a: {  	_ =	shalt  }
0x4b: {  	_ =	shalt  }
0x4c: {  	_ =	shalt  }
0x4d: {  	_ =	shalt  }
0x4e: {  	_ =	shalt  }
0x4f: {  	_ =	shalt  }
0x50: {  	_ =	shalt  }
0x51: {  	_ =	shalt  }
0x52: {  	_ =	shalt  }
0x53: {  	_ =	shalt  }
0x54: {  	_ =	shalt  }
0x55: {  	_ =	shalt  }
0x56: {  	_ =	shalt  }
0x57: {  	_ =	shalt  }
0x58: {  	_ =	shalt  }
0x59: {  	_ =	shalt  }
0x5a: {  	_ =	shalt  }
0x5b: {  	_ =	shalt  }
0x5c: {  	_ =	shalt  }
0x5d: {  	_ =	shalt  }
0x5e: {  	_ =	shalt  }
0x5f: {  	_ =	shalt  }
0x60: {  	_ =	shalt  }
0x61: {  	_ =	shalt  }
0x62: {  	_ =	shalt  }
0x63: {  	_ =	shalt  }
0x64: {  	_ =	shalt  }
0x65: {  	_ =	shalt  }
0x66: {  	_ =	shalt  }
0x67: {  	_ =	shalt  }
0x68: {  	_ =	shalt  }
0x69: {  	_ =	shalt  }
0x6a: {  	_ =	shalt  }
0x6b: {  	_ =	shalt  }
0x6c: {  	_ =	shalt  }
0x6d: {  	_ =	shalt  }
0x6e: {  	_ =	shalt  }
0x6f: {  	_ =	shalt  }
0x70: {  	_ =	shalt  }
0x71: {  	_ =	shalt  }
0x72: {  	_ =	shalt  }
0x73: {  	_ =	shalt  }
0x74: {  	_ =	shalt  }
0x75: {  	_ =	shalt  }
0x76: {  	_ =	shalt  }
0x77: {  	_ =	shalt  }
0x78: {  	_ =	shalt  }
0x79: {  	_ =	shalt  }
0x7a: {  	_ =	shalt  }
0x7b: {  	_ =	shalt  }
0x7c: {  	_ =	shalt  }
0x7d: {  	_ =	shalt  }
0x7e: {  	_ =	shalt  }
0x7f: {  	_ =	shalt  }
0x80: {  	_ =	shalt  }
0x81: {  	_ =	shalt  }
0x82: {  	_ =	shalt  }
0x83: {  	_ =	shalt  }
0x84: {  	_ =	shalt  }
0x85: {  	_ =	shalt  }
0x86: {  	_ =	shalt  }
0x87: {  	_ =	shalt  }
.Lfunc_end0:
.L_simem_size_0:
called_computation_lowered:
.L_overlay_start_0:
0x88: {  	s2 =	sld [smem:$0x3FD9]  }
0x89: {  	s3 =	sld [smem:$0x3FFE];
	_ =	sdelay $0x1  }
0x8a: {  	s1 =	srdreg.scid  }
0x8b: {  	s0 =	sand.u32 $0x1, s1  }
0x8c: {  	s17 =	sshll.u32 s0, $0xA;
	s2 =	sadd.s32 s3, s2  }
0x8d: {  	s2 =	sadd.s32 s2, s17  }
0x8e: {  	[smem:$0x3FC6] =	sst s2  }
0x8f: {  	_ = 	snop  }
0x90: {  	s2 =	sld [smem:$0x3FC9]  }
0x91: {  	s18 =	sld [smem:$0x3FD0];
	(tm) =	ssettm $0x1  }
0x92: {  	s4 =	sld [smem:$0x3FFB];
	_ =	sdelay $0x3  }
0x93: {  	_ =	strace s4  }
0x94: {  	s4 =	sld [smem:$0x3FFC];
	_ =	sdelay $0x3  }
0x95: {  	_ =	strace s4  }
0x96: {  	s4 =	sld [smem:$0x3FFD];
	_ =	sdelay $0x3  }
0x97: {  	_ =	strace s4  }
0x98: {  	_ =	strace $0x8FFFFFFF  }
0x99: {  	s19 =	sld [smem:$0x3FDB];
	_ =	sdelay $0x1  }
0x9a: {  	s5 =	simm.s32 $_scs_section_size  }
0x9b: {  	s6 =	simm.s32 $_size__tile_overlayer_lowered;
	s7 =	simm.s32 $_tile_overlayer_lowered  }
0x9c: {  	s22 =	simm.s32 $0x1BFF;
	s21 =	sshll.u32 s7, $0x1;
	s4 =	sadd.s32 s5, s19  }
0x9d: {  	s8 =	simm.s32 $0x0;
	s20 =	sshll.u32 s6, $0x1;
	s6 =	sadd.s32 s21, s4  }
0x9e: {  	[timem:s8], [sflag:s22] =	dma.local [hbm:s6], s20  }
0x9f: {  	_ =	swait.ge [sflag:s22], s20  }
0xa0: {  	s5 =	ssub.s32 $0x0, s20;
	[sflag:s22] =	ssyncset.done $0x0  }
0xa1: {  	[sflag:s22] =	ssyncadd.s32 s5;
	_ =	sdelay $0x1  }
0xa2: {  	s23 =	simm.s32 $0x1B8B  }
0xa3: {  	_ =	swait.ge [sflag:s23], $0x1  }
0xa4: {  	[sflag:s23] =	ssyncset.done $0x0  }
0xa5: {  	s25 =	simm.s32 $0x1B8E;
	s24 =	sld [smem:$0x3FFE];
	[sflag:s23] =	ssyncadd.s32 $0xFFFFFFFF  }
0xa6: {  	s26 =	simm.s32 $execute0_lowered;
	[smem:$0x3FD2] =	sst s25  }
0xa7: {  	s6 =	sshll.u32 s26, $0x1;
	_ =	strace $0x80000046;
	[dreg:$0x1] =	wrdreg $0xFFFFFFFF  }
0xa8: {  	s28 =	simm.s32 $_size_execute0_lowered;
	s4 =	sadd.s32 s4, s6;
	[dreg:$0x0] =	wrdreg $0x0  }
0xa9: {  	s6 =	sshll.u32 s28, $0x1;
	[dreg:$0x2] =	wrdreg s4  }
0xaa: {  	[dreg:$0x3] =	wrdreg s6  }
0xab: {  	[dreg:$0x4] =	wrdreg $0xC0  }
0xac: {  	_ =	task [dreg:s8], $0x5FFFF  }
0xad: {  	[dreg:$0x1] =	wrdreg $0xFFFFFFFF  }
0xae: {  	[dreg:$0x0] =	wrdreg $0x60  }
0xaf: {  	[dreg:$0x2] =	wrdreg s2  }
0xb0: {  	[dreg:$0x3] =	wrdreg s24  }
0xb1: {  	[dreg:$0x4] =	wrdreg s18  }
0xb2: {  	[dreg:$0x5] =	wrdreg $0x9  }
0xb3: {  	_ =	task.clear_ibuf [dreg:s8], $0x6FFFF;
	_ =	strace $0x90000046  }
0xb4: {  	s29 =	simm.s32 $0x9;
	_ =	strace $0x80000048  }
0xb5: {  	_ =	swait.ge [sflag:s29], $0x1  }
0xb6: {  	[sflag:s29] =	ssyncadd.s32 $0xFFFFFFFF  }
0xb7: {  	_ =	strace $0x90000048  }
0xb8: {  	_ =	sfence  }
0xb9: {  	s30 =	sld [smem:$0x0];
	_ =	sdelay $0x2  }
0xba: {  	s31 =	sshll.u32 s1, $0xD;
	s1 =	sshrl.u32 s1, $0x2  }
0xbb: {  	s3 =	sand.u32 $0x4000, s31;
	s1 =	sadd.s32 s1, s30  }
0xbc: {  	s0 =	sor.u32 s3, s0;
	s1 =	sshll.u32 s1, $0x11  }
0xbd: {  	s0 =	sor.u32 s1, s0  }
0xbe: {  	s0 =	sadd.s32 $0x8F2B, s0  }
0xbf: {  	[sflag:s0] =	ssyncadd.remote.s32 $0x1  }
0xc0: {  	_ =	sfence.sel $0xFFFF  }
0xc1: {  	[dreg:$0x0] =	wrdreg $0xFFFFFFFF;
	(pc) =	sbr.abs _section_cstart, $3  }
0xc2: {  	[dreg:$0x1] =	wrdreg $0xFFFFFFFF  }
0xc3: {  	_ =	task.clear_ibuf [dreg:s8], $0x2FFFF;
	_ =	strace $0x9FFFFFFF  }
0xc4: {  	(tm) =	ssettm $0x7FFFFFFF  }
0xc5: {  	_ =	shalt  }
tec
execute0_lowered:
.L_overlay_start_1:
0x0: {  	(tag) =	ssettag $0x1  }
0x1: {  	s0 =	rddreg [dreg:$0x0]  }
0x2: {  	s1 =	rddreg [dreg:$0x2];
	s2 =	srdreg.scid  }
0x3: {  	s5 =	simm.s32 $0x0;
	s4 =	stileid.u32;
	s2 =	sand.u32 $0x1, s2  }
0x4: {  	s4 =	sshll.u32 s4, $0xE;
	s3 =	ssub.s32 $0x2, s2;
	s2 =	sshll.u32 s2, $0xD  }
0x5: {  	[smem:$0x7FF] =	sst s5;
	s14 =	sshrl.u32 s3, $0x1;
	s7 =	sor.u32 s2, s4  }
0x6: {  	s9 =	ssub.s32 s3, s14;
	s15 =	sor.u32 $0x41000, s7;
	s16 =	sor.u32 $0x80000, s7  }
0x7: {  	s18 =	sor.u32 $0x81000, s7;
	s19 =	sor.u32 $0xC0000, s7;
	s21 =	sor.u32 $0xC1000, s7  }
0x8: {  	s22 =	sor.u32 $0x100000, s7;
	s24 =	sor.u32 $0x101000, s7;
	s3 =	sadd.s32 s0, s15  }
0x9: {  	s8 =	sadd.s32 s1, s19;
	s20 =	sadd.s32 s0, s19;
	s19 =	rddreg [dreg:$0x1]  }
0xa: {  	s25 =	sor.u32 $0x140000, s7;
	s17 =	sadd.s32 s0, s16;
	[dreg:$0x4] =	wrdreg s3  }
0xb: {  	s28 =	sor.u32 $0x141000, s7;
	s31 =	sor.u32 $0x180000, s7;
	[dreg:$0x5] =	wrdreg s17  }
0xc: {  	s13 =	sor.u32 $0x181000, s7;
	s23 =	sadd.s32 s0, s22;
	[dreg:$0x7] =	wrdreg s20  }
0xd: {  	s29 =	sadd.s32 s1, s7;
	s26 =	sadd.s32 s0, s25;
	[dreg:$0x9] =	wrdreg s23  }
0xe: {  	s2 =	sadd.s32 s1, s15;
	s11 =	sadd.s32 s0, s31;
	[dreg:$0xb] =	wrdreg s26  }
0xf: {  	s15 =	sor.u32 $0x1C0000, s7;
	s3 =	sadd.s32 s0, s18;
	[dreg:$0xd] =	wrdreg s11  }
0x10: {  	s4 =	sadd.s32 s1, s16;
	s17 =	sadd.s32 s0, s15;
	[dreg:$0x6] =	wrdreg s3  }
0x11: {  	s6 =	sadd.s32 s1, s18;
	s3 =	sadd.s32 s0, s21;
	[dreg:$0xf] =	wrdreg s17  }
0x12: {  	s10 =	sadd.s32 s1, s21;
	[dreg:$0x8] =	wrdreg s3;
	s3 =	sadd.s32 s0, s24  }
0x13: {  	s12 =	sadd.s32 s1, s22;
	[dreg:$0xa] =	wrdreg s3;
	s3 =	sadd.s32 s0, s28  }
0x14: {  	s21 =	sor.u32 $0x1C1000, s7;
	[dreg:$0xc] =	wrdreg s3;
	s3 =	sadd.s32 s0, s13  }
0x15: {  	s11 =	sadd.s32 s0, s7;
	s0 =	sadd.s32 s0, s21;
	[dreg:$0xe] =	wrdreg s3  }
0x16: {  	s14 =	sadd.s32 s1, s24;
	s23 =	sadd.s32 $0x400, s19;
	[dreg:$0x11] =	wrdreg s0  }
0x17: {  	s24 =	sadd.s32 $0x1000, s11;
	_ =	strace $0x80000047;
	[dreg:$0x12] =	wrdreg s23  }
0x18: {  	s16 =	sadd.s32 s1, s25;
	s22 =	sadd.s32 s1, s13;
	[dreg:$0x13] =	wrdreg s24  }
0x19: {  	s18 =	sadd.s32 s1, s28;
	s26 =	sadd.s32 $0x40000, s11;
	[dreg:$0x10] =	wrdreg s11  }
0x1a: {  	s20 =	sadd.s32 s1, s31;
	s28 =	sadd.s32 $0x40800, s29;
	[dreg:$0x14] =	wrdreg s26  }
0x1b: {  	s25 =	sadd.s32 s1, s15;
	s31 =	sadd.s32 $0x41800, s29;
	[dreg:$0x15] =	wrdreg s28  }
0x1c: {  	s30 =	sadd.s32 s1, s21;
	s1 =	sadd.s32 $0x80800, s29;
	[dreg:$0x16] =	wrdreg s31  }
0x1d: {  	s7 =	sadd.s32 $0x81800, s29;
	[dreg:$0x17] =	wrdreg s1  }
0x1e: {  	s13 =	sadd.s32 $0xC1800, s29;
	[dreg:$0x18] =	wrdreg s7  }
0x1f: {  	s15 =	sadd.s32 $0x100800, s29;
	[dreg:$0x1a] =	wrdreg s13  }
0x20: {  	s17 =	smax.u32 s9, $0x1;
	[dreg:$0x1b] =	wrdreg s15  }
0x21: {  	s19 =	sadd.s32 $0x101800, s29;
	[dreg:$0x1c] =	wrdreg s17  }
0x22: {  	s5 =	sadd.s32 $0x40000, s29;
	s21 =	sadd.s32 $0x140800, s29;
	[dreg:$0x1d] =	wrdreg s19  }
0x23: {  	s9 =	sadd.s32 $0x1C0800, s29;
	s11 =	sadd.s32 $0xC0800, s29;
	[dreg:$0x1e] =	wrdreg s21  }
0x24: {  	s3 =	sadd.s32 $0x1000, s29;
	s23 =	sadd.s32 $0x800, s29;
	[dreg:$0x19] =	wrdreg s11  }
0x25: {  	s24 =	sadd.s32 $0x141800, s29;
	s26 =	sadd.s32 $0x180800, s29;
	[dreg:$0x1f] =	wrdreg s23  }
0x26: {  	s28 =	sadd.s32 $0x1800, s29;
	s31 =	sadd.s32 $0x181800, s29;
	[smem:$0x7FA] =	sst s24  }
0x27: {  	s13 =	simm.s32 $0x7;
	s15 =	simm.s32 $0x4;
	[smem:$0x7FB] =	sst s26  }
0x28: {  	s17 =	simm.s32 $0x5;
	s19 =	simm.s32 $0x6;
	[smem:$0x7FC] =	sst s28  }
0x29: {  	v0 =	vimm.f32 $0.0e+00;
	s21 =	simm.s32 $0x0;
	[smem:$0x7FD] =	sst s31;
	s11 =	sadd.s32 $0x1C1800, s29  }
.LBB2_1:
0x2a: {  	s0 =	simm.s32 $0x0;
	s1 =	rddreg [dreg:$0x12]  }
0x2b: {  	[tilespmem:s0], [sflag:$0x7] =	stream.linear.gather [hbm4b:s1+s0], $0x80, $0x38;
	[tilespmem:$0x1C080] =	vst v63  }
0x2c: {  	_ =	swait.ge [sflag:s13], $0x80  }
0x2d: {  	[sflag:s13] =	ssyncset.done $0x0  }
0x2e: {  	[sflag:s13] =	ssyncadd.s32 $0xFFFFFF80  }
0x2f: {  	v1 =	vld [tilespmem:$0x0];
	_ =	sdelay $0x4  }
0x30: {  	(v2sf) =	vpush v1, $0x0;
	_ =	sdelay $0xe  }
0x31: {  	s23 =	spop (v2sf)  }
0x32: {  	p0 =	seq.s32 s23, $0x0  }
0x33: {  	s0 =	rddreg [dreg:$0x10];
	s23 =	simm.s32 @!p0 $0x0;
	s26 =	simm.s32 @!p0 $0x4080  }
0x34: {  	[tilespmem:s26], [sflag:$0x1] =	stream.linear.gather @!p0 [hbm4b:s0+s23], $0x8000, $0x38;
	[tilespmem:$0x1C080] =	vst v63  }
0x35: {  	s26 =	simm.s32 @!p0 $0xC080;
	s0 =	rddreg [dreg:$0x13]  }
0x36: {  	[tilespmem:s26], [sflag:$0x2] =	stream.linear.gather @!p0 [hbm4b:s0+s23], $0x8000, $0x38;
	[tilespmem:$0x1C080] =	vst v63  }
0x37: {  	s23 =	simm.s32 $0x0;
	s26 =	simm.s32 $0x400  }
.LBB2_2:
0x38: {  	p1 =	sne.s32 s26, $0xFC00;
	[tilespmem:s23+$0x170] =	vst v0  }
0x39: {  	[tilespmem:s23+$0x80] =	vst v0  }
0x3a: {  	[tilespmem:s23+$0x90] =	vst v0  }
0x3b: {  	[tilespmem:s23+$0xA0] =	vst v0  }
0x3c: {  	[tilespmem:s23+$0xB0] =	vst v0  }
0x3d: {  	[tilespmem:s23+$0xC0] =	vst v0  }
0x3e: {  	[tilespmem:s23+$0xD0] =	vst v0  }
0x3f: {  	[tilespmem:s23+$0xE0] =	vst v0  }
0x40: {  	[tilespmem:s23+$0xF0] =	vst v0  }
0x41: {  	[tilespmem:s23+$0x100] =	vst v0  }
0x42: {  	[tilespmem:s23+$0x110] =	vst v0  }
.Ltmp0:
0x43: {  	[tilespmem:s23+$0x120] =	vst v0;
	(pc) =	sbr.rel @p1 .LBB2_2-.Ltmp0, $4  }
0x44: {  	[tilespmem:s23+$0x130] =	vst v0  }
0x45: {  	[tilespmem:s23+$0x140] =	vst v0  }
0x46: {  	[tilespmem:s23+$0x150] =	vst v0  }
0x47: {  	[tilespmem:s23+$0x160] =	vst v0;
	s23 =	sshra.s32 s26, $0x2;
	s26 =	sadd.s32 $0x400, s26  }
0x48: {  	(v2sf) =	vpush v1, $0x1;
	_ =	sdelay $0x1  }
0x49: {  	[tilespmem:s23+$0x170] =	vst v0  }
0x4a: {  	[tilespmem:s23+$0x80] =	vst v0  }
0x4b: {  	[tilespmem:s23+$0x90] =	vst v0  }
0x4c: {  	[tilespmem:s23+$0xA0] =	vst v0  }
0x4d: {  	[tilespmem:s23+$0xB0] =	vst v0  }
0x4e: {  	[tilespmem:s23+$0xC0] =	vst v0  }
0x4f: {  	[tilespmem:s23+$0xD0] =	vst v0  }
0x50: {  	[tilespmem:s23+$0xE0] =	vst v0  }
0x51: {  	[tilespmem:s23+$0xF0] =	vst v0  }
0x52: {  	[tilespmem:s23+$0x100] =	vst v0  }
0x53: {  	[tilespmem:s23+$0x110] =	vst v0  }
0x54: {  	[tilespmem:s23+$0x120] =	vst v0  }
0x55: {  	[tilespmem:s23+$0x130] =	vst v0  }
0x56: {  	[tilespmem:s23+$0x140] =	vst v0;
	s26 =	spop (v2sf)  }
0x57: {  	[tilespmem:s23+$0x150] =	vst v0;
	p1 =	seq.s32 s26, $0x0  }
0x58: {  	[tilespmem:s23+$0x160] =	vst v0;
	s0 =	rddreg [dreg:$0x14];
	s23 =	simm.s32 @!p1 $0x0;
	s26 =	simm.s32 @!p1 $0x14080  }
0x59: {  	[tilespmem:s26], [sflag:$0x3] =	stream.linear.gather @!p1 [hbm4b:s0+s23], $0x8000, $0x38;
	[tilespmem:$0x1C080] =	vst v63  }
0x5a: {  	s28 =	simm.s32 @p0 $0x0;
	s31 =	simm.s32 @p0 $0x80  }
0x5b: {  	[hbm4b:s29+s28] =	stream.linear.scatter @p0 [tilespmem:s31], [sflag:$0x4], $0x4000, $0x38;
	[tilespmem:$0x1C080] =	vst v63  }
0x5c: {  	s24 =	simm.s32 @!p0 $0x1;
	s0 =	rddreg [dreg:$0x1f]  }
0x5d: {  	[hbm4b:s0+s28] =	stream.linear.scatter @p0 [tilespmem:s31], [sflag:$0x4], $0x4000, $0x38;
	[tilespmem:$0x1C080] =	vst v63  }
0x5e: {  	_ =	swait.ge @!p0 [sflag:s24], $0x8000  }
0x5f: {  	[sflag:s24] =	ssyncset.done @!p0 $0x0  }
0x60: {  	s0 =	simm.s32 @!p0 $0x4080;
	[sflag:s24] =	ssyncadd.s32 @!p0 $0xFFFF8000;
	s24 =	simm.s32 @!p0 $0x0  }
0x61: {  	[hbm4b:s29+s24] =	stream.linear.scatter @!p0 [tilespmem:s0], [sflag:$0x4], $0x8000, $0x38;
	[tilespmem:$0x1C080] =	vst v63  }
0x62: {  	_ =	swait.ge [sflag:s15], $0x8000  }
0x63: {  	[sflag:s15] =	ssyncset.done $0x0  }
0x64: {  	s0 =	simm.s32 @!p1 $0x4080;
	s1 =	rddreg [dreg:$0x4];
	[sflag:s15] =	ssyncadd.s32 $0xFFFF8000  }
0x65: {  	[tilespmem:s0], [sflag:$0x1] =	stream.linear.gather @!p1 [hbm4b:s1+s23], $0x8000, $0x38;
	[tilespmem:$0x1C080] =	vst v63  }
0x66: {  	s1 =	sld [smem:$0x7FC]  }
0x67: {  	[hbm4b:s3+s28] =	stream.linear.scatter @p0 [tilespmem:s31], [sflag:$0x5], $0x4000, $0x38;
	[tilespmem:$0x1C080] =	vst v63  }
0x68: {  	_ = 	snop  }
0x69: {  	[hbm4b:s1+s28] =	stream.linear.scatter @p0 [tilespmem:s31], [sflag:$0x5], $0x4000, $0x38;
	[tilespmem:$0x1C080] =	vst v63  }
0x6a: {  	s28 =	simm.s32 @!p0 $0x2  }
0x6b: {  	_ =	swait.ge @!p0 [sflag:s28], $0x8000  }
0x6c: {  	[sflag:s28] =	ssyncset.done @!p0 $0x0  }
0x6d: {  	[sflag:s28] =	ssyncadd.s32 @!p0 $0xFFFF8000;
	s28 =	simm.s32 @!p0 $0xC080  }
0x6e: {  	[hbm4b:s3+s24] =	stream.linear.scatter @!p0 [tilespmem:s28], [sflag:$0x5], $0x8000, $0x38;
	[tilespmem:$0x1C080] =	vst v63  }
0x6f: {  	_ =	swait.ge [sflag:s17], $0x8000  }
0x70: {  	(v2sf) =	vpush v1, $0x2;
	_ =	sdelay $0xe  }
0x71: {  	s31 =	spop (v2sf)  }
0x72: {  	[sflag:s17] =	ssyncset.done $0x0;
	s1 =	rddreg [dreg:$0x5];
	p0 =	seq.s32 s31, $0x0  }
0x73: {  	[sflag:s17] =	ssyncadd.s32 $0xFFFF8000;
	s24 =	simm.s32 @!p0 $0x0;
	s28 =	simm.s32 @!p0 $0xC080  }
0x74: {  	[tilespmem:s28], [sflag:$0x2] =	stream.linear.gather @!p0 [hbm4b:s1+s24], $0x8000, $0x38;
	[tilespmem:$0x1C080] =	vst v63  }
0x75: {  	s31 =	simm.s32 @p1 $0x0;
	s1 =	simm.s32 @p1 $0x80  }
0x76: {  	[hbm4b:s5+s31] =	stream.linear.scatter @p1 [tilespmem:s1], [sflag:$0x6], $0x4000, $0x38;
	[tilespmem:$0x1C080] =	vst v63  }
0x77: {  	s7 =	rddreg [dreg:$0x15]  }
0x78: {  	[hbm4b:s7+s31] =	stream.linear.scatter @p1 [tilespmem:s1], [sflag:$0x6], $0x4000, $0x38;
	[tilespmem:$0x1C080] =	vst v63  }
0x79: {  	s7 =	simm.s32 @!p1 $0x3  }
0x7a: {  	_ =	swait.ge @!p1 [sflag:s7], $0x8000  }
0x7b: {  	[sflag:s7] =	ssyncset.done @!p1 $0x0  }
0x7c: {  	[sflag:s7] =	ssyncadd.s32 @!p1 $0xFFFF8000  }
0x7d: {  	[hbm4b:s5+s23] =	stream.linear.scatter @!p1 [tilespmem:s26], [sflag:$0x6], $0x8000, $0x38;
	[tilespmem:$0x1C080] =	vst v63  }
0x7e: {  	_ =	swait.ge [sflag:s19], $0x8000  }
0x7f: {  	[sflag:s19] =	ssyncset.done $0x0  }
0x80: {  	s7 =	simm.s32 @!p0 $0x14080;
	s26 =	rddreg [dreg:$0x6];
	[sflag:s19] =	ssyncadd.s32 $0xFFFF8000  }
0x81: {  	[tilespmem:s7], [sflag:$0x3] =	stream.linear.gather @!p0 [hbm4b:s26+s24], $0x8000, $0x38;
	[tilespmem:$0x1C080] =	vst v63  }
0x82: {  	_ = 	snop  }
0x83: {  	[hbm4b:s2+s31] =	stream.linear.scatter @p1 [tilespmem:s1], [sflag:$0x4], $0x4000, $0x38;
	[tilespmem:$0x1C080] =	vst v63  }
0x84: {  	s26 =	rddreg [dreg:$0x16]  }
0x85: {  	[hbm4b:s26+s31] =	stream.linear.scatter @p1 [tilespmem:s1], [sflag:$0x4], $0x4000, $0x38;
	[tilespmem:$0x1C080] =	vst v63  }
0x86: {  	s1 =	simm.s32 @!p1 $0x1  }
0x87: {  	_ =	swait.ge @!p1 [sflag:s1], $0x8000  }
0x88: {  	[sflag:s1] =	ssyncset.done @!p1 $0x0  }
0x89: {  	[sflag:s1] =	ssyncadd.s32 @!p1 $0xFFFF8000  }
0x8a: {  	[hbm4b:s2+s23] =	stream.linear.scatter @!p1 [tilespmem:s0], [sflag:$0x4], $0x8000, $0x38;
	[tilespmem:$0x1C080] =	vst v63  }
0x8b: {  	_ =	swait.ge [sflag:s15], $0x8000  }
0x8c: {  	(v2sf) =	vpush v1, $0x3;
	_ =	sdelay $0xe  }
0x8d: {  	s1 =	spop (v2sf)  }
0x8e: {  	[sflag:s15] =	ssyncset.done $0x0;
	s23 =	rddreg [dreg:$0x7];
	p1 =	seq.s32 s1, $0x0  }
0x8f: {  	[sflag:s15] =	ssyncadd.s32 $0xFFFF8000;
	s0 =	simm.s32 @!p1 $0x0;
	s1 =	simm.s32 @!p1 $0x4080  }
0x90: {  	[tilespmem:s1], [sflag:$0x1] =	stream.linear.gather @!p1 [hbm4b:s23+s0], $0x8000, $0x38;
	[tilespmem:$0x1C080] =	vst v63  }
0x91: {  	s26 =	simm.s32 @p0 $0x80;
	s23 =	simm.s32 @p0 $0x0  }
0x92: {  	[hbm4b:s4+s23] =	stream.linear.scatter @p0 [tilespmem:s26], [sflag:$0x5], $0x4000, $0x38;
	[tilespmem:$0x1C080] =	vst v63  }
0x93: {  	s31 =	rddreg [dreg:$0x17]  }
0x94: {  	[hbm4b:s31+s23] =	stream.linear.scatter @p0 [tilespmem:s26], [sflag:$0x5], $0x4000, $0x38;
	[tilespmem:$0x1C080] =	vst v63  }
0x95: {  	s31 =	simm.s32 @!p0 $0x2  }
0x96: {  	_ =	swait.ge @!p0 [sflag:s31], $0x8000  }
0x97: {  	[sflag:s31] =	ssyncset.done @!p0 $0x0  }
0x98: {  	[sflag:s31] =	ssyncadd.s32 @!p0 $0xFFFF8000  }
0x99: {  	[hbm4b:s4+s24] =	stream.linear.scatter @!p0 [tilespmem:s28], [sflag:$0x5], $0x8000, $0x38;
	[tilespmem:$0x1C080] =	vst v63  }
0x9a: {  	_ =	swait.ge [sflag:s17], $0x8000  }
0x9b: {  	[sflag:s17] =	ssyncset.done $0x0  }
0x9c: {  	s28 =	simm.s32 @!p1 $0xC080;
	s31 =	rddreg [dreg:$0x8];
	[sflag:s17] =	ssyncadd.s32 $0xFFFF8000  }
0x9d: {  	[tilespmem:s28], [sflag:$0x2] =	stream.linear.gather @!p1 [hbm4b:s31+s0], $0x8000, $0x38;
	[tilespmem:$0x1C080] =	vst v63  }
0x9e: {  	_ = 	snop  }
0x9f: {  	[hbm4b:s6+s23] =	stream.linear.scatter @p0 [tilespmem:s26], [sflag:$0x6], $0x4000, $0x38;
	[tilespmem:$0x1C080] =	vst v63  }
0xa0: {  	s31 =	rddreg [dreg:$0x18]  }
0xa1: {  	[hbm4b:s31+s23] =	stream.linear.scatter @p0 [tilespmem:s26], [sflag:$0x6], $0x4000, $0x38;
	[tilespmem:$0x1C080] =	vst v63  }
0xa2: {  	s23 =	simm.s32 @!p0 $0x3  }
0xa3: {  	_ =	swait.ge @!p0 [sflag:s23], $0x8000  }
0xa4: {  	[sflag:s23] =	ssyncset.done @!p0 $0x0  }
0xa5: {  	[sflag:s23] =	ssyncadd.s32 @!p0 $0xFFFF8000  }
0xa6: {  	[hbm4b:s6+s24] =	stream.linear.scatter @!p0 [tilespmem:s7], [sflag:$0x6], $0x8000, $0x38;
	[tilespmem:$0x1C080] =	vst v63  }
0xa7: {  	_ =	swait.ge [sflag:s19], $0x8000  }
0xa8: {  	(v2sf) =	vpush v1, $0x4;
	_ =	sdelay $0xe  }
0xa9: {  	s23 =	spop (v2sf)  }
0xaa: {  	[sflag:s19] =	ssyncset.done $0x0;
	s24 =	rddreg [dreg:$0x9];
	p0 =	seq.s32 s23, $0x0  }
0xab: {  	[sflag:s19] =	ssyncadd.s32 $0xFFFF8000;
	s7 =	simm.s32 @!p0 $0x0;
	s23 =	simm.s32 @!p0 $0x14080  }
0xac: {  	[tilespmem:s23], [sflag:$0x3] =	stream.linear.gather @!p0 [hbm4b:s24+s7], $0x8000, $0x38;
	[tilespmem:$0x1C080] =	vst v63  }
0xad: {  	s26 =	simm.s32 @p1 $0x80;
	s24 =	simm.s32 @p1 $0x0  }
0xae: {  	[hbm4b:s8+s24] =	stream.linear.scatter @p1 [tilespmem:s26], [sflag:$0x4], $0x4000, $0x38;
	[tilespmem:$0x1C080] =	vst v63  }
0xaf: {  	s31 =	rddreg [dreg:$0x19]  }
0xb0: {  	[hbm4b:s31+s24] =	stream.linear.scatter @p1 [tilespmem:s26], [sflag:$0x4], $0x4000, $0x38;
	[tilespmem:$0x1C080] =	vst v63  }
0xb1: {  	s31 =	simm.s32 @!p1 $0x1  }
0xb2: {  	_ =	swait.ge @!p1 [sflag:s31], $0x8000  }
0xb3: {  	[sflag:s31] =	ssyncset.done @!p1 $0x0  }
0xb4: {  	[sflag:s31] =	ssyncadd.s32 @!p1 $0xFFFF8000  }
0xb5: {  	[hbm4b:s8+s0] =	stream.linear.scatter @!p1 [tilespmem:s1], [sflag:$0x4], $0x8000, $0x38;
	[tilespmem:$0x1C080] =	vst v63  }
0xb6: {  	_ =	swait.ge [sflag:s15], $0x8000  }
0xb7: {  	[sflag:s15] =	ssyncset.done $0x0  }
0xb8: {  	s1 =	simm.s32 @!p0 $0x4080;
	s31 =	rddreg [dreg:$0xa];
	[sflag:s15] =	ssyncadd.s32 $0xFFFF8000  }
0xb9: {  	[tilespmem:s1], [sflag:$0x1] =	stream.linear.gather @!p0 [hbm4b:s31+s7], $0x8000, $0x38;
	[tilespmem:$0x1C080] =	vst v63  }
0xba: {  	_ = 	snop  }
0xbb: {  	[hbm4b:s10+s24] =	stream.linear.scatter @p1 [tilespmem:s26], [sflag:$0x5], $0x4000, $0x38;
	[tilespmem:$0x1C080] =	vst v63  }
0xbc: {  	s31 =	rddreg [dreg:$0x1a]  }
0xbd: {  	[hbm4b:s31+s24] =	stream.linear.scatter @p1 [tilespmem:s26], [sflag:$0x5], $0x4000, $0x38;
	[tilespmem:$0x1C080] =	vst v63  }
0xbe: {  	s24 =	simm.s32 @!p1 $0x2  }
0xbf: {  	_ =	swait.ge @!p1 [sflag:s24], $0x8000  }
0xc0: {  	[sflag:s24] =	ssyncset.done @!p1 $0x0  }
0xc1: {  	[sflag:s24] =	ssyncadd.s32 @!p1 $0xFFFF8000  }
0xc2: {  	[hbm4b:s10+s0] =	stream.linear.scatter @!p1 [tilespmem:s28], [sflag:$0x5], $0x8000, $0x38;
	[tilespmem:$0x1C080] =	vst v63  }
0xc3: {  	_ =	swait.ge [sflag:s17], $0x8000  }
0xc4: {  	(v2sf) =	vpush v1, $0x5;
	_ =	sdelay $0xe  }
0xc5: {  	s24 =	spop (v2sf)  }
0xc6: {  	[sflag:s17] =	ssyncset.done $0x0;
	s26 =	rddreg [dreg:$0xb];
	p1 =	seq.s32 s24, $0x0  }
0xc7: {  	[sflag:s17] =	ssyncadd.s32 $0xFFFF8000;
	s0 =	simm.s32 @!p1 $0x0;
	s24 =	simm.s32 @!p1 $0xC080  }
0xc8: {  	[tilespmem:s24], [sflag:$0x2] =	stream.linear.gather @!p1 [hbm4b:s26+s0], $0x8000, $0x38;
	[tilespmem:$0x1C080] =	vst v63  }
0xc9: {  	s28 =	simm.s32 @p0 $0x80;
	s26 =	simm.s32 @p0 $0x0  }
0xca: {  	[hbm4b:s12+s26] =	stream.linear.scatter @p0 [tilespmem:s28], [sflag:$0x6], $0x4000, $0x38;
	[tilespmem:$0x1C080] =	vst v63  }
0xcb: {  	s31 =	rddreg [dreg:$0x1b]  }
0xcc: {  	[hbm4b:s31+s26] =	stream.linear.scatter @p0 [tilespmem:s28], [sflag:$0x6], $0x4000, $0x38;
	[tilespmem:$0x1C080] =	vst v63  }
0xcd: {  	s31 =	simm.s32 @!p0 $0x3  }
0xce: {  	_ =	swait.ge @!p0 [sflag:s31], $0x8000  }
0xcf: {  	[sflag:s31] =	ssyncset.done @!p0 $0x0  }
0xd0: {  	[sflag:s31] =	ssyncadd.s32 @!p0 $0xFFFF8000  }
0xd1: {  	[hbm4b:s12+s7] =	stream.linear.scatter @!p0 [tilespmem:s23], [sflag:$0x6], $0x8000, $0x38;
	[tilespmem:$0x1C080] =	vst v63  }
0xd2: {  	_ =	swait.ge [sflag:s19], $0x8000  }
0xd3: {  	[sflag:s19] =	ssyncset.done $0x0  }
0xd4: {  	s23 =	simm.s32 @!p1 $0x14080;
	s31 =	rddreg [dreg:$0xc];
	[sflag:s19] =	ssyncadd.s32 $0xFFFF8000  }
0xd5: {  	[tilespmem:s23], [sflag:$0x3] =	stream.linear.gather @!p1 [hbm4b:s31+s0], $0x8000, $0x38;
	[tilespmem:$0x1C080] =	vst v63  }
0xd6: {  	_ = 	snop  }
0xd7: {  	[hbm4b:s14+s26] =	stream.linear.scatter @p0 [tilespmem:s28], [sflag:$0x4], $0x4000, $0x38;
	[tilespmem:$0x1C080] =	vst v63  }
0xd8: {  	s31 =	rddreg [dreg:$0x1d]  }
0xd9: {  	[hbm4b:s31+s26] =	stream.linear.scatter @p0 [tilespmem:s28], [sflag:$0x4], $0x4000, $0x38;
	[tilespmem:$0x1C080] =	vst v63  }
0xda: {  	s26 =	simm.s32 @!p0 $0x1  }
0xdb: {  	_ =	swait.ge @!p0 [sflag:s26], $0x8000  }
0xdc: {  	[sflag:s26] =	ssyncset.done @!p0 $0x0  }
0xdd: {  	[sflag:s26] =	ssyncadd.s32 @!p0 $0xFFFF8000  }
0xde: {  	[hbm4b:s14+s7] =	stream.linear.scatter @!p0 [tilespmem:s1], [sflag:$0x4], $0x8000, $0x38;
	[tilespmem:$0x1C080] =	vst v63  }
0xdf: {  	_ =	swait.ge [sflag:s15], $0x8000  }
0xe0: {  	(v2sf) =	vpush v1, $0x6;
	_ =	sdelay $0xe  }
0xe1: {  	[sflag:s15] =	ssyncset.done $0x0;
	s26 =	spop (v2sf)  }
0xe2: {  	[sflag:s15] =	ssyncadd.s32 $0xFFFF8000;
	p0 =	seq.s32 s26, $0x0  }
0xe3: {  	s26 =	rddreg [dreg:$0xd];
	s1 =	simm.s32 @!p0 $0x0;
	s7 =	simm.s32 @!p0 $0x4080  }
0xe4: {  	[tilespmem:s7], [sflag:$0x1] =	stream.linear.gather @!p0 [hbm4b:s26+s1], $0x8000, $0x38;
	[tilespmem:$0x1C080] =	vst v63  }
0xe5: {  	s28 =	simm.s32 @p1 $0x80;
	s26 =	simm.s32 @p1 $0x0  }
0xe6: {  	[hbm4b:s16+s26] =	stream.linear.scatter @p1 [tilespmem:s28], [sflag:$0x5], $0x4000, $0x38;
	[tilespmem:$0x1C080] =	vst v63  }
0xe7: {  	s31 =	rddreg [dreg:$0x1e]  }
0xe8: {  	[hbm4b:s31+s26] =	stream.linear.scatter @p1 [tilespmem:s28], [sflag:$0x5], $0x4000, $0x38;
	[tilespmem:$0x1C080] =	vst v63  }
0xe9: {  	s31 =	simm.s32 @!p1 $0x2  }
0xea: {  	_ =	swait.ge @!p1 [sflag:s31], $0x8000  }
0xeb: {  	[sflag:s31] =	ssyncset.done @!p1 $0x0  }
0xec: {  	[sflag:s31] =	ssyncadd.s32 @!p1 $0xFFFF8000  }
0xed: {  	[hbm4b:s16+s0] =	stream.linear.scatter @!p1 [tilespmem:s24], [sflag:$0x5], $0x8000, $0x38;
	[tilespmem:$0x1C080] =	vst v63  }
0xee: {  	_ =	swait.ge [sflag:s17], $0x8000  }
0xef: {  	[sflag:s17] =	ssyncset.done $0x0  }
0xf0: {  	s24 =	simm.s32 @!p0 $0xC080;
	s31 =	rddreg [dreg:$0xe];
	[sflag:s17] =	ssyncadd.s32 $0xFFFF8000  }
0xf1: {  	[tilespmem:s24], [sflag:$0x2] =	stream.linear.gather @!p0 [hbm4b:s31+s1], $0x8000, $0x38;
	[tilespmem:$0x1C080] =	vst v63  }
0xf2: {  	s31 =	sld [smem:$0x7FA]  }
0xf3: {  	[hbm4b:s18+s26] =	stream.linear.scatter @p1 [tilespmem:s28], [sflag:$0x6], $0x4000, $0x38;
	[tilespmem:$0x1C080] =	vst v63  }
0xf4: {  	_ = 	snop  }
0xf5: {  	[hbm4b:s31+s26] =	stream.linear.scatter @p1 [tilespmem:s28], [sflag:$0x6], $0x4000, $0x38;
	[tilespmem:$0x1C080] =	vst v63  }
0xf6: {  	s26 =	simm.s32 @!p1 $0x3  }
0xf7: {  	_ =	swait.ge @!p1 [sflag:s26], $0x8000  }
0xf8: {  	[sflag:s26] =	ssyncset.done @!p1 $0x0  }
0xf9: {  	[sflag:s26] =	ssyncadd.s32 @!p1 $0xFFFF8000  }
0xfa: {  	[hbm4b:s18+s0] =	stream.linear.scatter @!p1 [tilespmem:s23], [sflag:$0x6], $0x8000, $0x38;
	[tilespmem:$0x1C080] =	vst v63  }
0xfb: {  	_ =	swait.ge [sflag:s19], $0x8000  }
0xfc: {  	(v2sf) =	vpush v1, $0x7;
	_ =	sdelay $0xe  }
0xfd: {  	s28 =	spop (v2sf)  }
0xfe: {  	[sflag:s19] =	ssyncset.done $0x0;
	s26 =	rddreg [dreg:$0xf];
	p1 =	seq.s32 s28, $0x0  }
0xff: {  	[sflag:s19] =	ssyncadd.s32 $0xFFFF8000;
	s0 =	simm.s32 @!p1 $0x0;
	s23 =	simm.s32 @!p1 $0x14080  }
0x100: {  	[tilespmem:s23], [sflag:$0x3] =	stream.linear.gather @!p1 [hbm4b:s26+s0], $0x8000, $0x38;
	[tilespmem:$0x1C080] =	vst v63  }
0x101: {  	s31 =	sld [smem:$0x7FB];
	s28 =	simm.s32 @p0 $0x80;
	s26 =	simm.s32 @p0 $0x0  }
0x102: {  	[hbm4b:s20+s26] =	stream.linear.scatter @p0 [tilespmem:s28], [sflag:$0x4], $0x4000, $0x38;
	[tilespmem:$0x1C080] =	vst v63  }
0x103: {  	_ = 	snop  }
0x104: {  	[hbm4b:s31+s26] =	stream.linear.scatter @p0 [tilespmem:s28], [sflag:$0x4], $0x4000, $0x38;
	[tilespmem:$0x1C080] =	vst v63  }
0x105: {  	s31 =	simm.s32 @!p0 $0x1  }
0x106: {  	_ =	swait.ge @!p0 [sflag:s31], $0x8000  }
0x107: {  	[sflag:s31] =	ssyncset.done @!p0 $0x0  }
0x108: {  	[sflag:s31] =	ssyncadd.s32 @!p0 $0xFFFF8000  }
0x109: {  	[hbm4b:s20+s1] =	stream.linear.scatter @!p0 [tilespmem:s7], [sflag:$0x4], $0x8000, $0x38;
	[tilespmem:$0x1C080] =	vst v63  }
0x10a: {  	_ =	swait.ge [sflag:s15], $0x8000  }
0x10b: {  	[sflag:s15] =	ssyncset.done $0x0  }
0x10c: {  	s7 =	simm.s32 @!p1 $0x4080;
	s31 =	rddreg [dreg:$0x11];
	[sflag:s15] =	ssyncadd.s32 $0xFFFF8000  }
0x10d: {  	[tilespmem:s7], [sflag:$0x1] =	stream.linear.gather @!p1 [hbm4b:s31+s0], $0x8000, $0x38;
	[tilespmem:$0x1C080] =	vst v63  }
0x10e: {  	s31 =	sld [smem:$0x7FD]  }
0x10f: {  	[hbm4b:s22+s26] =	stream.linear.scatter @p0 [tilespmem:s28], [sflag:$0x5], $0x4000, $0x38;
	[tilespmem:$0x1C080] =	vst v63  }
0x110: {  	_ = 	snop  }
0x111: {  	[hbm4b:s31+s26] =	stream.linear.scatter @p0 [tilespmem:s28], [sflag:$0x5], $0x4000, $0x38;
	[tilespmem:$0x1C080] =	vst v63  }
0x112: {  	s26 =	simm.s32 @!p0 $0x2  }
0x113: {  	_ =	swait.ge @!p0 [sflag:s26], $0x8000  }
0x114: {  	[sflag:s26] =	ssyncset.done @!p0 $0x0  }
0x115: {  	[sflag:s26] =	ssyncadd.s32 @!p0 $0xFFFF8000  }
0x116: {  	[hbm4b:s22+s1] =	stream.linear.scatter @!p0 [tilespmem:s24], [sflag:$0x5], $0x8000, $0x38;
	[tilespmem:$0x1C080] =	vst v63  }
0x117: {  	s1 =	simm.s32 @p1 $0x0;
	s24 =	simm.s32 @p1 $0x80  }
0x118: {  	[hbm4b:s25+s1] =	stream.linear.scatter @p1 [tilespmem:s24], [sflag:$0x6], $0x4000, $0x38;
	[tilespmem:$0x1C080] =	vst v63  }
0x119: {  	_ = 	snop  }
0x11a: {  	[hbm4b:s9+s1] =	stream.linear.scatter @p1 [tilespmem:s24], [sflag:$0x6], $0x4000, $0x38;
	[tilespmem:$0x1C080] =	vst v63  }
0x11b: {  	_ = 	snop  }
0x11c: {  	[hbm4b:s30+s1] =	stream.linear.scatter @p1 [tilespmem:s24], [sflag:$0x4], $0x4000, $0x38;
	[tilespmem:$0x1C080] =	vst v63  }
0x11d: {  	_ = 	snop  }
0x11e: {  	[hbm4b:s11+s1] =	stream.linear.scatter @p1 [tilespmem:s24], [sflag:$0x4], $0x4000, $0x38;
	[tilespmem:$0x1C080] =	vst v63  }
0x11f: {  	s1 =	simm.s32 @!p1 $0x3  }
0x120: {  	_ =	swait.ge @!p1 [sflag:s1], $0x8000  }
0x121: {  	[sflag:s1] =	ssyncset.done @!p1 $0x0  }
0x122: {  	[sflag:s1] =	ssyncadd.s32 @!p1 $0xFFFF8000;
	s1 =	simm.s32 @!p1 $0x1  }
0x123: {  	[hbm4b:s25+s0] =	stream.linear.scatter @!p1 [tilespmem:s23], [sflag:$0x6], $0x8000, $0x38;
	[tilespmem:$0x1C080] =	vst v63  }
0x124: {  	_ =	swait.ge @!p1 [sflag:s1], $0x8000  }
0x125: {  	[sflag:s1] =	ssyncset.done @!p1 $0x0  }
0x126: {  	[sflag:s1] =	ssyncadd.s32 @!p1 $0xFFFF8000  }
0x127: {  	[hbm4b:s30+s0] =	stream.linear.scatter @!p1 [tilespmem:s7], [sflag:$0x4], $0x8000, $0x38;
	[tilespmem:$0x1C080] =	vst v63  }
0x128: {  	_ =	swait.ge [sflag:s17], $0x8000  }
0x129: {  	[sflag:s17] =	ssyncset.done $0x0  }
0x12a: {  	[sflag:s17] =	ssyncadd.s32 $0xFFFF8000  }
0x12b: {  	_ =	swait.ge [sflag:s19], $0x8000  }
0x12c: {  	[sflag:s19] =	ssyncset.done $0x0  }
0x12d: {  	[sflag:s19] =	ssyncadd.s32 $0xFFFF8000  }
0x12e: {  	_ =	swait.ge [sflag:s15], $0x8000  }
0x12f: {  	s21 =	sadd.s32 $0x1, s21;
	s31 =	rddreg [dreg:$0x1c]  }
0x130: {  	p0 =	sne.s32 s21, s31  }
.Ltmp1:
0x131: {  	_ = 	snop;
	(pc) =	sbr.rel @p0 .LBB2_1-.Ltmp1, $3  }
0x132: {  	_ =	sdelay $0x1  }
0x133: {  	[sflag:s15] =	ssyncset.done $0x0  }
0x134: {  	[sflag:s15] =	ssyncadd.s32 $0xFFFF8000  }
0x135: {  	_ =	sfence.sel $0x180000  }
0x136: {  	[bflag:$0x0] =	sbarrier.arrive $0xFFFF  }
0x137: {  	_ =	strace $0x90000047  }
0x138: {  	s0 =	stileid.u32;
	[bflag:$0x2] =	sbarrier.arrive $0xFFFF  }
0x139: {  	p0 =	sne.s32 s0, $0x0;
	s0 =	rddreg [dreg:$0x3]  }
0x13a: {  	s0 =	sadd.s32 @!p0 $0x100000, s0  }
0x13b: {  	[sflag:s0] =	ssyncadd.tile.s32 @!p0 $0x1;
	_ =	shalt  }
.Lfunc_end2:
_tile_overlayer_lowered:
.L_overlay_start_2:
0x13c: {  	(tag) =	ssettag $0x2  }
0x13d: {  	s0 =	rddreg [dreg:$0x0];
	s2 =	stileid.u32  }
0x13e: {  	s1 =	rddreg [dreg:$0x1];
	p0 =	sne.s32 s2, $0x0  }
0x13f: {  	s3 =	rddreg [dreg:$0x2];
	[bflag:$0x3] =	sbarrier.arrive $0xFFFF;
	s2 =	simm.s32 @!p0 $0x1C07  }
0x140: {  	[timem:s3], [sflag:s2] =	dma.local @!p0 [hbm:s0], s1  }
0x141: {  	s0 =	simm.s32 @!p0 $0x7  }
0x142: {  	_ =	swait.ge @!p0 [sflag:s0], s1  }
0x143: {  	s1 =	ssub.s32 @!p0 $0x0, s1;
	[sflag:s0] =	ssyncset.done @!p0 $0x0  }
0x144: {  	[sflag:s0] =	ssyncadd.s32 @!p0 s1  }
0x145: {  	[bflag:$0x3] =	sbarrier.arrive $0xFFFF  }
0x146: {  	_ =	shalt  }

</sc_bundles>
